<compile_context>
chip_gen: v7x
topology: tpu7x:2x2x1
jax: 0.10.2.dev20260603
libtpu: 0.0.44.dev20260713+nightly
codegen_flags: <defaults>
</compile_context>

<pallas_src>
import functools

import jax
import jax.numpy as jnp
from jax import lax
from jax.experimental import pallas as pl
from jax.experimental.pallas import tpu as pltpu
from jax.experimental.pallas import tpu_sc as plsc

N = 10000
E = 320000
D = 64
DF = 128
NC = 2
NS = 16
NW = NC * NS
EPW = E // NW
CH = 80
NSTEP = EPW // CH
NBLK = 5
SPB = NSTEP // NBLK
CPR = 632
TAIL = N - (NS - 1) * CPR
W16 = 16
RB = 1000

_sc_mesh = plsc.VectorSubcoreMesh(core_axis_name="c", subcore_axis_name="s")


def _coop_rows(s, fn):
    r0 = pl.multiple_of(s * CPR, 8)

    @pl.when(s < NS - 1)
    def _():
        fn(r0, CPR)

    @pl.when(s == NS - 1)
    def _():
        fn(r0, TAIL)


@functools.partial(
    pl.kernel,
    out_type=jax.ShapeDtypeStruct((NC, N, DF), jnp.float32),
    mesh=_sc_mesh,
    scratch_types=[
        pltpu.VMEM_SHARED((N, DF), jnp.float32),
        pltpu.VMEM((SPB, CH), jnp.int32),
        pltpu.VMEM((CH, DF), jnp.float32),
    ],
)
def _dego_kernel(src4, ones_h, zeros_h, out, dg, src_t, ones_v):
    c = lax.axis_index("c")
    s = lax.axis_index("s")

    _coop_rows(s, lambda r0, nr: pltpu.sync_copy(
        zeros_h.at[pl.ds(0, nr)], dg.at[pl.ds(r0, nr)]))
    pltpu.sync_copy(ones_h, ones_v)
    plsc.subcore_barrier()

    @pl.loop(0, NSTEP)
    def _(j):
        jj = lax.rem(j, SPB)
        blk = lax.div(j, SPB)

        @pl.when(jj == 0)
        def _():
            pltpu.sync_copy(src4.at[c].at[s].at[blk], src_t)

        pltpu.sync_copy(ones_v, dg.at[src_t.at[jj]], add=True)

    plsc.subcore_barrier()
    _coop_rows(s, lambda r0, nr: pltpu.sync_copy(
        dg.at[pl.ds(r0, nr)], out.at[c].at[pl.ds(r0, nr)]))


@functools.partial(
    pl.kernel,
    out_type=jax.ShapeDtypeStruct((NC, N, DF), jnp.float32),
    mesh=_sc_mesh,
    scratch_types=[
        pltpu.VMEM_SHARED((N, DF), jnp.float32),
        pltpu.VMEM((SPB, CH), jnp.int32),
        pltpu.VMEM((SPB, CH), jnp.int32),
        pltpu.VMEM((4, CH, DF), jnp.float32),
        pltpu.SemaphoreType.DMA,
    ],
)
def _agg_kernel(h_hbm, src4, dst4, zeros_h, out, agg, src_t, dst_t, rows, sem):
    c = lax.axis_index("c")
    s = lax.axis_index("s")

    _coop_rows(s, lambda r0, nr: pltpu.sync_copy(
        zeros_h.at[pl.ds(0, nr)], agg.at[pl.ds(r0, nr)]))
    plsc.subcore_barrier()

    @pl.loop(0, NBLK)
    def _(blk):
        pltpu.sync_copy(src4.at[c].at[s].at[blk], src_t)
        pltpu.sync_copy(dst4.at[c].at[s].at[blk], dst_t)
        pltpu.async_copy(h_hbm.at[src_t.at[0]], rows.at[0], sem)
        pltpu.async_copy(h_hbm.at[src_t.at[1]], rows.at[1], sem)
        pltpu.async_copy(h_hbm.at[src_t.at[2]], rows.at[2], sem)

        @pl.loop(0, SPB)
        def _(jj):
            buf = lax.rem(jj, 4)
            pltpu.make_async_copy(h_hbm.at[src_t.at[jj]], rows.at[buf],
                                  sem).wait()

            @pl.when(jj < SPB - 3)
            def _():
                pltpu.async_copy(h_hbm.at[src_t.at[jj + 3]],
                                 rows.at[lax.rem(jj + 3, 4)], sem)

            pltpu.sync_copy(rows.at[buf], agg.at[dst_t.at[jj]], add=True)

    plsc.subcore_barrier()
    _coop_rows(s, lambda r0, nr: pltpu.sync_copy(
        agg.at[pl.ds(r0, nr)], out.at[c].at[pl.ds(r0, nr)]))


def _norm_body(degp_ref, x_ref, ns_ref, h1_ref):
    deg_o = degp_ref[0, :, 0:1] + degp_ref[1, :, 0:1]
    ns = jnp.where(deg_o > 0, lax.rsqrt(jnp.maximum(deg_o, 1.0)), 0.0)
    ns_ref[...] = jnp.broadcast_to(ns, (RB, W16))
    h1 = x_ref[...][:, D:] * ns
    pad = jnp.concatenate(
        [jnp.ones((RB, 1), jnp.float32), jnp.zeros((RB, D - 1), jnp.float32)],
        axis=-1)
    h1_ref[...] = jnp.concatenate([h1, pad], axis=-1)


_norm = pl.pallas_call(
    _norm_body,
    grid=(N // RB,),
    in_specs=[
        pl.BlockSpec((NC, RB, DF), lambda i: (0, i, 0)),
        pl.BlockSpec((RB, 2 * D), lambda i: (i, 0)),
    ],
    out_specs=[
        pl.BlockSpec((RB, W16), lambda i: (i, 0)),
        pl.BlockSpec((RB, DF), lambda i: (i, 0)),
    ],
    out_shape=[
        jax.ShapeDtypeStruct((N, W16), jnp.float32),
        jax.ShapeDtypeStruct((N, DF), jnp.float32),
    ],
)


def _lin1_body(x_ref, p_ref, ns_ref, w_ref, b_ref, y_ref, h2_ref, nd_ref):
    deg_i = p_ref[0, :, D:D + 1] + p_ref[1, :, D:D + 1]
    nd = jnp.where(deg_i > 0, lax.rsqrt(jnp.maximum(deg_i, 1.0)), 0.0)
    nd_ref[...] = jnp.broadcast_to(nd, (RB, W16))
    agg = (p_ref[0, :, :D] + p_ref[1, :, :D]) * nd
    y = (x_ref[...][:, :D]
         + jnp.dot(agg, w_ref[...], preferred_element_type=jnp.float32)
         + b_ref[...])
    y_ref[...] = y
    h2 = y * ns_ref[...][:, :1]
    h2_ref[...] = jnp.concatenate([h2, jnp.zeros_like(h2)], axis=-1)


_lin1 = pl.pallas_call(
    _lin1_body,
    grid=(N // RB,),
    in_specs=[
        pl.BlockSpec((RB, 2 * D), lambda i: (i, 0)),
        pl.BlockSpec((NC, RB, DF), lambda i: (0, i, 0)),
        pl.BlockSpec((RB, W16), lambda i: (i, 0)),
        pl.BlockSpec((D, D), lambda i: (0, 0)),
        pl.BlockSpec((1, D), lambda i: (0, 0)),
    ],
    out_specs=[
        pl.BlockSpec((RB, D), lambda i: (i, 0)),
        pl.BlockSpec((RB, DF), lambda i: (i, 0)),
        pl.BlockSpec((RB, W16), lambda i: (i, 0)),
    ],
    out_shape=[
        jax.ShapeDtypeStruct((N, D), jnp.float32),
        jax.ShapeDtypeStruct((N, DF), jnp.float32),
        jax.ShapeDtypeStruct((N, W16), jnp.float32),
    ],
)


def _lin2_body(x_ref, p_ref, nd_ref, w_ref, b_ref, y_ref):
    agg = (p_ref[0, :, :D] + p_ref[1, :, :D]) * nd_ref[...][:, :1]
    y_ref[...] = (x_ref[...][:, D:]
                  + jnp.dot(agg, w_ref[...], preferred_element_type=jnp.float32)
                  + b_ref[...])


_lin2 = pl.pallas_call(
    _lin2_body,
    grid=(N // RB,),
    in_specs=[
        pl.BlockSpec((RB, 2 * D), lambda i: (i, 0)),
        pl.BlockSpec((NC, RB, DF), lambda i: (0, i, 0)),
        pl.BlockSpec((RB, W16), lambda i: (i, 0)),
        pl.BlockSpec((D, D), lambda i: (0, 0)),
        pl.BlockSpec((1, D), lambda i: (0, 0)),
    ],
    out_specs=pl.BlockSpec((RB, D), lambda i: (i, 0)),
    out_shape=jax.ShapeDtypeStruct((N, D), jnp.float32),
)


def kernel(x, edge_index, W1, b1, W2, b2):
    src4 = edge_index[0].reshape(NC, NS, NBLK, SPB, CH)
    dst4 = edge_index[1].reshape(NC, NS, NBLK, SPB, CH)
    ones_row = jnp.ones((CH, DF), jnp.float32)
    zeros_agg = jnp.zeros((CPR, DF), jnp.float32)

    degp = _dego_kernel(src4, ones_row, zeros_agg)
    ns16, h1 = _norm(degp, x)
    p1 = _agg_kernel(h1, src4, dst4, zeros_agg)
    y1, h2, nd16 = _lin1(x, p1, ns16, W1, b1.reshape(1, D))
    p2 = _agg_kernel(h2, src4, dst4, zeros_agg)
    y2 = _lin2(x, p2, nd16, W2, b2.reshape(1, D))
    return jnp.concatenate([y1, y2], axis=-1)

# --- scband reference (transcript-rebuilt; emitter-appended) ---
"""Pipeline reference for scband-group-rev-res-37512244363630 (READ-ONLY COPY).

The authoritative reference and input builder live on the scoring server;
editing this copy changes nothing except your own understanding.
"""

import jax, jax.numpy as jnp
import numpy as np

N_NODES = 10000
N_EDGES = 320000
D_FEAT = 128
GROUP = 2
D_G = D_FEAT // GROUP  # 64


def setup_inputs(seed: int = 0) -> dict:
    key = jax.random.key(seed)
    ks = jax.random.split(key, 8)
    x = jax.random.normal(ks[0], (N_NODES, D_FEAT), dtype=jnp.float32)
    edge_index = jax.random.randint(ks[1], (2, N_EDGES), 0, N_NODES, dtype=jnp.int64 if jax.config.jax_enable_x64 else jnp.int32).astype(jnp.int32)
    # GraphConv weights for each of the 2 grouped copies (in=out=D_G)
    scale = 1.0 / np.sqrt(D_G)
    W1 = jax.random.uniform(ks[2], (D_G, D_G), dtype=jnp.float32, minval=-scale, maxval=scale)
    b1 = jnp.zeros((D_G,), dtype=jnp.float32)
    W2 = jax.random.uniform(ks[3], (D_G, D_G), dtype=jnp.float32, minval=-scale, maxval=scale)
    b2 = jnp.zeros((D_G,), dtype=jnp.float32)
    return {"x": x, "edge_index": edge_index, "W1": W1, "b1": b1, "W2": W2, "b2": b2}


def _graph_conv(h, W, b, src, dst, n_nodes):
    # DGL GraphConv with norm='both': D_out^{-1/2} on src, sum-aggregate, D_in^{-1/2} on dst, then linear
    ones = jnp.ones((src.shape[0],), dtype=jnp.float32)
    deg_out = jax.ops.segment_sum(ones, src, num_segments=n_nodes)
    deg_in = jax.ops.segment_sum(ones, dst, num_segments=n_nodes)
    norm_src = jnp.where(deg_out > 0, deg_out ** -0.5, 0.0)
    norm_dst = jnp.where(deg_in > 0, deg_in ** -0.5, 0.0)
    h = h * norm_src[:, None]
    msg = jnp.take(h, src, axis=0)              # gather (SparseCore)
    agg = jax.ops.segment_sum(msg, dst, num_segments=n_nodes)  # scatter-add
    agg = agg * norm_dst[:, None]
    return agg @ W + b


def reference(x, edge_index, W1, b1, W2, b2):
    src = edge_index[0]
    dst = edge_index[1]
    n = x.shape[0]
    # GroupRevRes._forward with group=2:
    x1, x2 = jnp.split(x, 2, axis=-1)
    y_in = x2                                  # sum(xs[1:])
    y1 = x1 + _graph_conv(y_in, W1, b1, src, dst, n)
    y2 = x2 + _graph_conv(y1, W2, b2, src, dst, n)
    out = jnp.concatenate([y1, y2], axis=-1)
    return out

if __name__ == "__main__":
    import jax
    _d = setup_inputs()
    print(jax.jit(kernel)(*tuple(_d.values())))

</pallas_src>

<mosaic_0001>
#map = affine_map<(d0, d1) -> (0, 0)>
#map1 = affine_map<(d0, d1) -> (0, 0, 0, 0, 0)>
#map2 = affine_map<(d0, d1) -> (0, 0, 0)>
module attributes {stable_mosaic.version = 14 : i64} {
  func.func @_agg_kernel(%arg0: i32, %arg1: i32, %arg2: memref<10000x128xf32, #tpu.memory_space<hbm>>, %arg3: memref<2x16x5x25x80xi32, #tpu.memory_space<hbm>>, %arg4: memref<2x16x5x25x80xi32, #tpu.memory_space<hbm>>, %arg5: memref<632x128xf32, #tpu.memory_space<hbm>>, %arg6: memref<2x10000x128xf32, #tpu.memory_space<hbm>>, %arg7: memref<10000x128xf32, #tpu.memory_space<vmem_shared>>, %arg8: memref<25x80xi32, #tpu.memory_space<vmem>>, %arg9: memref<25x80xi32, #tpu.memory_space<vmem>>, %arg10: memref<4x80x128xf32, #tpu.memory_space<vmem>>, %arg11: memref<!tpu.dma_semaphore, #tpu.memory_space<semaphore_mem>>) attributes {dimension_semantics = [#tpu.dimension_semantics<core_parallel>, #tpu.dimension_semantics<subcore_parallel>], iteration_bounds = array<i64: 2, 16>, scalar_prefetch = 0 : i64, scratch_operands = 5 : i64, tpu.core_type = #tpu.core_type<sc_vector_subcore>, window_params = [{transform_indices = #map}, {transform_indices = #map1}, {transform_indices = #map1}, {transform_indices = #map}, {transform_indices = #map2}]} {
    %mul3A = arith.constant 632 : i32
    %mul3A_0 = arith.muli %arg1, %mul3A : i32
    %multiple_of3A = tpu.assume_multiple %mul3A_0, 8 : i32
    %lt3A = arith.constant 15 : i32
    %lt3A_1 = arith.cmpi slt, %arg1, %lt3A : i32
    %convert_element_type3A = arith.extui %lt3A_1 : i1 to i32
    %cond3A = arith.constant 0 : i32
    %cond3A_2 = arith.cmpi ne, %convert_element_type3A, %cond3A : i32
    scf.if %cond3A_2 {
      "tpu.region"() ({
        %run_scoped3A = tpu.sem_alloc : memref<!tpu.dma_semaphore, #tpu.memory_space<semaphore_mem>>
        %dma_start3A = arith.constant 0 : i32
        %dma_start3A_25 = tpu.memref_slice %arg7[%multiple_of3A, %dma_start3A] : memref<10000x128xf32, #tpu.memory_space<vmem_shared>> -> memref<632x128xf32, #tpu.memory_space<vmem_shared>>
        %dma_start3A_26 = arith.constant 0 : i32
        %dma_start3A_27 = arith.constant 0 : i32
        %dma_start3A_28 = tpu.memref_slice %arg5[%dma_start3A_26, %dma_start3A_27] : memref<632x128xf32, #tpu.memory_space<hbm>> -> memref<632x128xf32, #tpu.memory_space<hbm>>
        tpu.enqueue_dma source(%dma_start3A_28 : memref<632x128xf32, #tpu.memory_space<hbm>>) target(%dma_start3A_25 : memref<632x128xf32, #tpu.memory_space<vmem_shared>>) target_semaphore(%run_scoped3A : memref<!tpu.dma_semaphore, #tpu.memory_space<semaphore_mem>>)
        %dma_wait3A = arith.constant 0 : i32
        %dma_wait3A_29 = tpu.memref_slice %arg7[%multiple_of3A, %dma_wait3A] : memref<10000x128xf32, #tpu.memory_space<vmem_shared>> -> memref<632x128xf32, #tpu.memory_space<vmem_shared>>
        %dma_wait3A_30 = arith.constant 0 : i32
        %dma_wait3A_31 = arith.constant 0 : i32
        %dma_wait3A_32 = tpu.memref_slice %arg5[%dma_wait3A_30, %dma_wait3A_31] : memref<632x128xf32, #tpu.memory_space<hbm>> -> memref<632x128xf32, #tpu.memory_space<hbm>>
        tpu.wait_dma2 semaphore(%run_scoped3A : memref<!tpu.dma_semaphore, #tpu.memory_space<semaphore_mem>>) src(%dma_wait3A_32 : memref<632x128xf32, #tpu.memory_space<hbm>>) dst(%dma_wait3A_29 : memref<632x128xf32, #tpu.memory_space<vmem_shared>>)
        tpu.yield
      }) : () -> ()
    } else {
    }
    %eq3A = arith.constant 15 : i32
    %eq3A_3 = arith.cmpi eq, %arg1, %eq3A : i32
    %convert_element_type3A_4 = arith.extui %eq3A_3 : i1 to i32
    %cond3A_5 = arith.constant 0 : i32
    %cond3A_6 = arith.cmpi ne, %convert_element_type3A_4, %cond3A_5 : i32
    scf.if %cond3A_6 {
      "tpu.region"() ({
        %run_scoped3A = tpu.sem_alloc : memref<!tpu.dma_semaphore, #tpu.memory_space<semaphore_mem>>
        %dma_start3A = arith.constant 0 : i32
        %dma_start3A_25 = tpu.memref_slice %arg7[%multiple_of3A, %dma_start3A] : memref<10000x128xf32, #tpu.memory_space<vmem_shared>> -> memref<520x128xf32, #tpu.memory_space<vmem_shared>>
        %dma_start3A_26 = arith.constant 0 : i32
        %dma_start3A_27 = arith.constant 0 : i32
        %dma_start3A_28 = tpu.memref_slice %arg5[%dma_start3A_26, %dma_start3A_27] : memref<632x128xf32, #tpu.memory_space<hbm>> -> memref<520x128xf32, #tpu.memory_space<hbm>>
        tpu.enqueue_dma source(%dma_start3A_28 : memref<520x128xf32, #tpu.memory_space<hbm>>) target(%dma_start3A_25 : memref<520x128xf32, #tpu.memory_space<vmem_shared>>) target_semaphore(%run_scoped3A : memref<!tpu.dma_semaphore, #tpu.memory_space<semaphore_mem>>)
        %dma_wait3A = arith.constant 0 : i32
        %dma_wait3A_29 = tpu.memref_slice %arg7[%multiple_of3A, %dma_wait3A] : memref<10000x128xf32, #tpu.memory_space<vmem_shared>> -> memref<520x128xf32, #tpu.memory_space<vmem_shared>>
        %dma_wait3A_30 = arith.constant 0 : i32
        %dma_wait3A_31 = arith.constant 0 : i32
        %dma_wait3A_32 = tpu.memref_slice %arg5[%dma_wait3A_30, %dma_wait3A_31] : memref<632x128xf32, #tpu.memory_space<hbm>> -> memref<520x128xf32, #tpu.memory_space<hbm>>
        tpu.wait_dma2 semaphore(%run_scoped3A : memref<!tpu.dma_semaphore, #tpu.memory_space<semaphore_mem>>) src(%dma_wait3A_32 : memref<520x128xf32, #tpu.memory_space<hbm>>) dst(%dma_wait3A_29 : memref<520x128xf32, #tpu.memory_space<vmem_shared>>)
        tpu.yield
      }) : () -> ()
    } else {
    }
    %barrier3A = arith.constant 0 : index
    tpu.barrier barrier_id(%barrier3A)
    %scan3A = arith.constant 0 : i32
    %scan3A_7 = arith.constant 5 : i32
    %scan3A_8 = arith.addi %scan3A, %scan3A_7 : i32
    %scan3A_9 = arith.constant 1 : i32
    scf.for %scan3A_25 = %scan3A to %scan3A_8 step %scan3A_9  : i32 {
      %mul3A_26 = arith.constant 1 : i32
      %mul3A_27 = arith.muli %scan3A_25, %mul3A_26 : i32
      %add3A = arith.constant 0 : i32
      %add3A_28 = arith.addi %add3A, %mul3A_27 : i32
      "tpu.region"() ({
        %run_scoped3A = tpu.sem_alloc : memref<!tpu.dma_semaphore, #tpu.memory_space<semaphore_mem>>
        %dma_start3A_69 = arith.constant 0 : i32
        %dma_start3A_70 = arith.constant 0 : i32
        %dma_start3A_71 = arith.constant 0 : i32
        %dma_start3A_72 = arith.constant 0 : i32
        %dma_start3A_73 = tpu.memref_slice %arg3[%arg0, %dma_start3A_69, %dma_start3A_70, %dma_start3A_71, %dma_start3A_72] : memref<2x16x5x25x80xi32, #tpu.memory_space<hbm>> -> memref<1x16x5x25x80xi32, #tpu.memory_space<hbm>>
        %dma_start3A_74 = tpu.memref_squeeze %dma_start3A_73 : memref<1x16x5x25x80xi32, #tpu.memory_space<hbm>> -> memref<16x5x25x80xi32, #tpu.memory_space<hbm>>
        %dma_start3A_75 = arith.constant 0 : i32
        %dma_start3A_76 = arith.constant 0 : i32
        %dma_start3A_77 = arith.constant 0 : i32
        %dma_start3A_78 = tpu.memref_slice %dma_start3A_74[%arg1, %dma_start3A_75, %dma_start3A_76, %dma_start3A_77] : memref<16x5x25x80xi32, #tpu.memory_space<hbm>> -> memref<1x5x25x80xi32, #tpu.memory_space<hbm>>
        %dma_start3A_79 = tpu.memref_squeeze %dma_start3A_78 : memref<1x5x25x80xi32, #tpu.memory_space<hbm>> -> memref<5x25x80xi32, #tpu.memory_space<hbm>>
        %dma_start3A_80 = arith.constant 0 : i32
        %dma_start3A_81 = arith.constant 0 : i32
        %dma_start3A_82 = tpu.memref_slice %dma_start3A_79[%add3A_28, %dma_start3A_80, %dma_start3A_81] : memref<5x25x80xi32, #tpu.memory_space<hbm>> -> memref<1x25x80xi32, #tpu.memory_space<hbm>>
        %dma_start3A_83 = tpu.memref_squeeze %dma_start3A_82 : memref<1x25x80xi32, #tpu.memory_space<hbm>> -> memref<25x80xi32, #tpu.memory_space<hbm>>
        %dma_start3A_84 = arith.constant 0 : i32
        %dma_start3A_85 = arith.constant 0 : i32
        %dma_start3A_86 = arith.constant 0 : i32
        %dma_start3A_87 = arith.constant 0 : i32
        %dma_start3A_88 = tpu.memref_slice %arg3[%arg0, %dma_start3A_84, %dma_start3A_85, %dma_start3A_86, %dma_start3A_87] : memref<2x16x5x25x80xi32, #tpu.memory_space<hbm>> -> memref<1x16x5x25x80xi32, #tpu.memory_space<hbm>>
        %dma_start3A_89 = tpu.memref_squeeze %dma_start3A_88 : memref<1x16x5x25x80xi32, #tpu.memory_space<hbm>> -> memref<16x5x25x80xi32, #tpu.memory_space<hbm>>
        %dma_start3A_90 = arith.constant 0 : i32
        %dma_start3A_91 = arith.constant 0 : i32
        %dma_start3A_92 = arith.constant 0 : i32
        %dma_start3A_93 = tpu.memref_slice %dma_start3A_89[%arg1, %dma_start3A_90, %dma_start3A_91, %dma_start3A_92] : memref<16x5x25x80xi32, #tpu.memory_space<hbm>> -> memref<1x5x25x80xi32, #tpu.memory_space<hbm>>
        %dma_start3A_94 = tpu.memref_squeeze %dma_start3A_93 : memref<1x5x25x80xi32, #tpu.memory_space<hbm>> -> memref<5x25x80xi32, #tpu.memory_space<hbm>>
        %dma_start3A_95 = arith.constant 0 : i32
        %dma_start3A_96 = arith.constant 0 : i32
        %dma_start3A_97 = tpu.memref_slice %dma_start3A_94[%add3A_28, %dma_start3A_95, %dma_start3A_96] : memref<5x25x80xi32, #tpu.memory_space<hbm>> -> memref<1x25x80xi32, #tpu.memory_space<hbm>>
        %dma_start3A_98 = tpu.memref_squeeze %dma_start3A_97 : memref<1x25x80xi32, #tpu.memory_space<hbm>> -> memref<25x80xi32, #tpu.memory_space<hbm>>
        tpu.enqueue_dma source(%dma_start3A_98 : memref<25x80xi32, #tpu.memory_space<hbm>>) target(%arg8 : memref<25x80xi32, #tpu.memory_space<vmem>>) target_semaphore(%run_scoped3A : memref<!tpu.dma_semaphore, #tpu.memory_space<semaphore_mem>>)
        %dma_wait3A = arith.constant 0 : i32
        %dma_wait3A_99 = arith.constant 0 : i32
        %dma_wait3A_100 = arith.constant 0 : i32
        %dma_wait3A_101 = arith.constant 0 : i32
        %dma_wait3A_102 = tpu.memref_slice %arg3[%arg0, %dma_wait3A, %dma_wait3A_99, %dma_wait3A_100, %dma_wait3A_101] : memref<2x16x5x25x80xi32, #tpu.memory_space<hbm>> -> memref<1x16x5x25x80xi32, #tpu.memory_space<hbm>>
        %dma_wait3A_103 = tpu.memref_squeeze %dma_wait3A_102 : memref<1x16x5x25x80xi32, #tpu.memory_space<hbm>> -> memref<16x5x25x80xi32, #tpu.memory_space<hbm>>
        %dma_wait3A_104 = arith.constant 0 : i32
        %dma_wait3A_105 = arith.constant 0 : i32
        %dma_wait3A_106 = arith.constant 0 : i32
        %dma_wait3A_107 = tpu.memref_slice %dma_wait3A_103[%arg1, %dma_wait3A_104, %dma_wait3A_105, %dma_wait3A_106] : memref<16x5x25x80xi32, #tpu.memory_space<hbm>> -> memref<1x5x25x80xi32, #tpu.memory_space<hbm>>
        %dma_wait3A_108 = tpu.memref_squeeze %dma_wait3A_107 : memref<1x5x25x80xi32, #tpu.memory_space<hbm>> -> memref<5x25x80xi32, #tpu.memory_space<hbm>>
        %dma_wait3A_109 = arith.constant 0 : i32
        %dma_wait3A_110 = arith.constant 0 : i32
        %dma_wait3A_111 = tpu.memref_slice %dma_wait3A_108[%add3A_28, %dma_wait3A_109, %dma_wait3A_110] : memref<5x25x80xi32, #tpu.memory_space<hbm>> -> memref<1x25x80xi32, #tpu.memory_space<hbm>>
        %dma_wait3A_112 = tpu.memref_squeeze %dma_wait3A_111 : memref<1x25x80xi32, #tpu.memory_space<hbm>> -> memref<25x80xi32, #tpu.memory_space<hbm>>
        %dma_wait3A_113 = arith.constant 0 : i32
        %dma_wait3A_114 = arith.constant 0 : i32
        %dma_wait3A_115 = arith.constant 0 : i32
        %dma_wait3A_116 = arith.constant 0 : i32
        %dma_wait3A_117 = tpu.memref_slice %arg3[%arg0, %dma_wait3A_113, %dma_wait3A_114, %dma_wait3A_115, %dma_wait3A_116] : memref<2x16x5x25x80xi32, #tpu.memory_space<hbm>> -> memref<1x16x5x25x80xi32, #tpu.memory_space<hbm>>
        %dma_wait3A_118 = tpu.memref_squeeze %dma_wait3A_117 : memref<1x16x5x25x80xi32, #tpu.memory_space<hbm>> -> memref<16x5x25x80xi32, #tpu.memory_space<hbm>>
        %dma_wait3A_119 = arith.constant 0 : i32
        %dma_wait3A_120 = arith.constant 0 : i32
        %dma_wait3A_121 = arith.constant 0 : i32
        %dma_wait3A_122 = tpu.memref_slice %dma_wait3A_118[%arg1, %dma_wait3A_119, %dma_wait3A_120, %dma_wait3A_121] : memref<16x5x25x80xi32, #tpu.memory_space<hbm>> -> memref<1x5x25x80xi32, #tpu.memory_space<hbm>>
        %dma_wait3A_123 = tpu.memref_squeeze %dma_wait3A_122 : memref<1x5x25x80xi32, #tpu.memory_space<hbm>> -> memref<5x25x80xi32, #tpu.memory_space<hbm>>
        %dma_wait3A_124 = arith.constant 0 : i32
        %dma_wait3A_125 = arith.constant 0 : i32
        %dma_wait3A_126 = tpu.memref_slice %dma_wait3A_123[%add3A_28, %dma_wait3A_124, %dma_wait3A_125] : memref<5x25x80xi32, #tpu.memory_space<hbm>> -> memref<1x25x80xi32, #tpu.memory_space<hbm>>
        %dma_wait3A_127 = tpu.memref_squeeze %dma_wait3A_126 : memref<1x25x80xi32, #tpu.memory_space<hbm>> -> memref<25x80xi32, #tpu.memory_space<hbm>>
        tpu.wait_dma2 semaphore(%run_scoped3A : memref<!tpu.dma_semaphore, #tpu.memory_space<semaphore_mem>>) src(%dma_wait3A_127 : memref<25x80xi32, #tpu.memory_space<hbm>>) dst(%arg8 : memref<25x80xi32, #tpu.memory_space<vmem>>)
        tpu.yield
      }) : () -> ()
      "tpu.region"() ({
        %run_scoped3A = tpu.sem_alloc : memref<!tpu.dma_semaphore, #tpu.memory_space<semaphore_mem>>
        %dma_start3A_69 = arith.constant 0 : i32
        %dma_start3A_70 = arith.constant 0 : i32
        %dma_start3A_71 = arith.constant 0 : i32
        %dma_start3A_72 = arith.constant 0 : i32
        %dma_start3A_73 = tpu.memref_slice %arg4[%arg0, %dma_start3A_69, %dma_start3A_70, %dma_start3A_71, %dma_start3A_72] : memref<2x16x5x25x80xi32, #tpu.memory_space<hbm>> -> memref<1x16x5x25x80xi32, #tpu.memory_space<hbm>>
        %dma_start3A_74 = tpu.memref_squeeze %dma_start3A_73 : memref<1x16x5x25x80xi32, #tpu.memory_space<hbm>> -> memref<16x5x25x80xi32, #tpu.memory_space<hbm>>
        %dma_start3A_75 = arith.constant 0 : i32
        %dma_start3A_76 = arith.constant 0 : i32
        %dma_start3A_77 = arith.constant 0 : i32
        %dma_start3A_78 = tpu.memref_slice %dma_start3A_74[%arg1, %dma_start3A_75, %dma_start3A_76, %dma_start3A_77] : memref<16x5x25x80xi32, #tpu.memory_space<hbm>> -> memref<1x5x25x80xi32, #tpu.memory_space<hbm>>
        %dma_start3A_79 = tpu.memref_squeeze %dma_start3A_78 : memref<1x5x25x80xi32, #tpu.memory_space<hbm>> -> memref<5x25x80xi32, #tpu.memory_space<hbm>>
        %dma_start3A_80 = arith.constant 0 : i32
        %dma_start3A_81 = arith.constant 0 : i32
        %dma_start3A_82 = tpu.memref_slice %dma_start3A_79[%add3A_28, %dma_start3A_80, %dma_start3A_81] : memref<5x25x80xi32, #tpu.memory_space<hbm>> -> memref<1x25x80xi32, #tpu.memory_space<hbm>>
        %dma_start3A_83 = tpu.memref_squeeze %dma_start3A_82 : memref<1x25x80xi32, #tpu.memory_space<hbm>> -> memref<25x80xi32, #tpu.memory_space<hbm>>
        %dma_start3A_84 = arith.constant 0 : i32
        %dma_start3A_85 = arith.constant 0 : i32
        %dma_start3A_86 = arith.constant 0 : i32
        %dma_start3A_87 = arith.constant 0 : i32
        %dma_start3A_88 = tpu.memref_slice %arg4[%arg0, %dma_start3A_84, %dma_start3A_85, %dma_start3A_86, %dma_start3A_87] : memref<2x16x5x25x80xi32, #tpu.memory_space<hbm>> -> memref<1x16x5x25x80xi32, #tpu.memory_space<hbm>>
        %dma_start3A_89 = tpu.memref_squeeze %dma_start3A_88 : memref<1x16x5x25x80xi32, #tpu.memory_space<hbm>> -> memref<16x5x25x80xi32, #tpu.memory_space<hbm>>
        %dma_start3A_90 = arith.constant 0 : i32
        %dma_start3A_91 = arith.constant 0 : i32
        %dma_start3A_92 = arith.constant 0 : i32
        %dma_start3A_93 = tpu.memref_slice %dma_start3A_89[%arg1, %dma_start3A_90, %dma_start3A_91, %dma_start3A_92] : memref<16x5x25x80xi32, #tpu.memory_space<hbm>> -> memref<1x5x25x80xi32, #tpu.memory_space<hbm>>
        %dma_start3A_94 = tpu.memref_squeeze %dma_start3A_93 : memref<1x5x25x80xi32, #tpu.memory_space<hbm>> -> memref<5x25x80xi32, #tpu.memory_space<hbm>>
        %dma_start3A_95 = arith.constant 0 : i32
        %dma_start3A_96 = arith.constant 0 : i32
        %dma_start3A_97 = tpu.memref_slice %dma_start3A_94[%add3A_28, %dma_start3A_95, %dma_start3A_96] : memref<5x25x80xi32, #tpu.memory_space<hbm>> -> memref<1x25x80xi32, #tpu.memory_space<hbm>>
        %dma_start3A_98 = tpu.memref_squeeze %dma_start3A_97 : memref<1x25x80xi32, #tpu.memory_space<hbm>> -> memref<25x80xi32, #tpu.memory_space<hbm>>
        tpu.enqueue_dma source(%dma_start3A_98 : memref<25x80xi32, #tpu.memory_space<hbm>>) target(%arg9 : memref<25x80xi32, #tpu.memory_space<vmem>>) target_semaphore(%run_scoped3A : memref<!tpu.dma_semaphore, #tpu.memory_space<semaphore_mem>>)
        %dma_wait3A = arith.constant 0 : i32
        %dma_wait3A_99 = arith.constant 0 : i32
        %dma_wait3A_100 = arith.constant 0 : i32
        %dma_wait3A_101 = arith.constant 0 : i32
        %dma_wait3A_102 = tpu.memref_slice %arg4[%arg0, %dma_wait3A, %dma_wait3A_99, %dma_wait3A_100, %dma_wait3A_101] : memref<2x16x5x25x80xi32, #tpu.memory_space<hbm>> -> memref<1x16x5x25x80xi32, #tpu.memory_space<hbm>>
        %dma_wait3A_103 = tpu.memref_squeeze %dma_wait3A_102 : memref<1x16x5x25x80xi32, #tpu.memory_space<hbm>> -> memref<16x5x25x80xi32, #tpu.memory_space<hbm>>
        %dma_wait3A_104 = arith.constant 0 : i32
        %dma_wait3A_105 = arith.constant 0 : i32
        %dma_wait3A_106 = arith.constant 0 : i32
        %dma_wait3A_107 = tpu.memref_slice %dma_wait3A_103[%arg1, %dma_wait3A_104, %dma_wait3A_105, %dma_wait3A_106] : memref<16x5x25x80xi32, #tpu.memory_space<hbm>> -> memref<1x5x25x80xi32, #tpu.memory_space<hbm>>
        %dma_wait3A_108 = tpu.memref_squeeze %dma_wait3A_107 : memref<1x5x25x80xi32, #tpu.memory_space<hbm>> -> memref<5x25x80xi32, #tpu.memory_space<hbm>>
        %dma_wait3A_109 = arith.constant 0 : i32
        %dma_wait3A_110 = arith.constant 0 : i32
        %dma_wait3A_111 = tpu.memref_slice %dma_wait3A_108[%add3A_28, %dma_wait3A_109, %dma_wait3A_110] : memref<5x25x80xi32, #tpu.memory_space<hbm>> -> memref<1x25x80xi32, #tpu.memory_space<hbm>>
        %dma_wait3A_112 = tpu.memref_squeeze %dma_wait3A_111 : memref<1x25x80xi32, #tpu.memory_space<hbm>> -> memref<25x80xi32, #tpu.memory_space<hbm>>
        %dma_wait3A_113 = arith.constant 0 : i32
        %dma_wait3A_114 = arith.constant 0 : i32
        %dma_wait3A_115 = arith.constant 0 : i32
        %dma_wait3A_116 = arith.constant 0 : i32
        %dma_wait3A_117 = tpu.memref_slice %arg4[%arg0, %dma_wait3A_113, %dma_wait3A_114, %dma_wait3A_115, %dma_wait3A_116] : memref<2x16x5x25x80xi32, #tpu.memory_space<hbm>> -> memref<1x16x5x25x80xi32, #tpu.memory_space<hbm>>
        %dma_wait3A_118 = tpu.memref_squeeze %dma_wait3A_117 : memref<1x16x5x25x80xi32, #tpu.memory_space<hbm>> -> memref<16x5x25x80xi32, #tpu.memory_space<hbm>>
        %dma_wait3A_119 = arith.constant 0 : i32
        %dma_wait3A_120 = arith.constant 0 : i32
        %dma_wait3A_121 = arith.constant 0 : i32
        %dma_wait3A_122 = tpu.memref_slice %dma_wait3A_118[%arg1, %dma_wait3A_119, %dma_wait3A_120, %dma_wait3A_121] : memref<16x5x25x80xi32, #tpu.memory_space<hbm>> -> memref<1x5x25x80xi32, #tpu.memory_space<hbm>>
        %dma_wait3A_123 = tpu.memref_squeeze %dma_wait3A_122 : memref<1x5x25x80xi32, #tpu.memory_space<hbm>> -> memref<5x25x80xi32, #tpu.memory_space<hbm>>
        %dma_wait3A_124 = arith.constant 0 : i32
        %dma_wait3A_125 = arith.constant 0 : i32
        %dma_wait3A_126 = tpu.memref_slice %dma_wait3A_123[%add3A_28, %dma_wait3A_124, %dma_wait3A_125] : memref<5x25x80xi32, #tpu.memory_space<hbm>> -> memref<1x25x80xi32, #tpu.memory_space<hbm>>
        %dma_wait3A_127 = tpu.memref_squeeze %dma_wait3A_126 : memref<1x25x80xi32, #tpu.memory_space<hbm>> -> memref<25x80xi32, #tpu.memory_space<hbm>>
        tpu.wait_dma2 semaphore(%run_scoped3A : memref<!tpu.dma_semaphore, #tpu.memory_space<semaphore_mem>>) src(%dma_wait3A_127 : memref<25x80xi32, #tpu.memory_space<hbm>>) dst(%arg9 : memref<25x80xi32, #tpu.memory_space<vmem>>)
        tpu.yield
      }) : () -> ()
      %dma_start3A = arith.constant 0 : i32
      %dma_start3A_29 = arith.constant 0 : i32
      %dma_start3A_30 = arith.constant 0 : i32
      %dma_start3A_31 = arith.constant 0 : i32
      %dma_start3A_32 = tpu.memref_slice %arg10[%dma_start3A_29, %dma_start3A_30, %dma_start3A_31] : memref<4x80x128xf32, #tpu.memory_space<vmem>> -> memref<1x80x128xf32, #tpu.memory_space<vmem>>
      %dma_start3A_33 = tpu.memref_squeeze %dma_start3A_32 : memref<1x80x128xf32, #tpu.memory_space<vmem>> -> memref<80x128xf32, #tpu.memory_space<vmem>>
      %dma_start3A_34 = arith.constant 0 : i32
      %dma_start3A_35 = tpu.memref_slice %arg8[%dma_start3A, %dma_start3A_34] : memref<25x80xi32, #tpu.memory_space<vmem>> -> memref<1x80xi32, #tpu.memory_space<vmem>>
      %dma_start3A_36 = tpu.memref_squeeze %dma_start3A_35 : memref<1x80xi32, #tpu.memory_space<vmem>> -> memref<80xi32, #tpu.memory_space<vmem>>
      %dma_start3A_37 = arith.constant 0 : i32
      %dma_start3A_38 = arith.constant 0 : i32
      %dma_start3A_39 = tpu.memref_slice %arg2[%dma_start3A_37, %dma_start3A_38] : memref<10000x128xf32, #tpu.memory_space<hbm>> -> memref<10000x128xf32, #tpu.memory_space<hbm>>
      tpu.enqueue_indirect_dma source(%dma_start3A_39 : memref<10000x128xf32, #tpu.memory_space<hbm>>) target(%dma_start3A_33 : memref<80x128xf32, #tpu.memory_space<vmem>>) offsets(%dma_start3A_36 : memref<80xi32, #tpu.memory_space<vmem>>) semaphore(%arg11 : memref<!tpu.dma_semaphore, #tpu.memory_space<semaphore_mem>>)
      %dma_start3A_40 = arith.constant 1 : i32
      %dma_start3A_41 = arith.constant 1 : i32
      %dma_start3A_42 = arith.constant 0 : i32
      %dma_start3A_43 = arith.constant 0 : i32
      %dma_start3A_44 = tpu.memref_slice %arg10[%dma_start3A_41, %dma_start3A_42, %dma_start3A_43] : memref<4x80x128xf32, #tpu.memory_space<vmem>> -> memref<1x80x128xf32, #tpu.memory_space<vmem>>
      %dma_start3A_45 = tpu.memref_squeeze %dma_start3A_44 : memref<1x80x128xf32, #tpu.memory_space<vmem>> -> memref<80x128xf32, #tpu.memory_space<vmem>>
      %dma_start3A_46 = arith.constant 0 : i32
      %dma_start3A_47 = tpu.memref_slice %arg8[%dma_start3A_40, %dma_start3A_46] : memref<25x80xi32, #tpu.memory_space<vmem>> -> memref<1x80xi32, #tpu.memory_space<vmem>>
      %dma_start3A_48 = tpu.memref_squeeze %dma_start3A_47 : memref<1x80xi32, #tpu.memory_space<vmem>> -> memref<80xi32, #tpu.memory_space<vmem>>
      %dma_start3A_49 = arith.constant 0 : i32
      %dma_start3A_50 = arith.constant 0 : i32
      %dma_start3A_51 = tpu.memref_slice %arg2[%dma_start3A_49, %dma_start3A_50] : memref<10000x128xf32, #tpu.memory_space<hbm>> -> memref<10000x128xf32, #tpu.memory_space<hbm>>
      tpu.enqueue_indirect_dma source(%dma_start3A_51 : memref<10000x128xf32, #tpu.memory_space<hbm>>) target(%dma_start3A_45 : memref<80x128xf32, #tpu.memory_space<vmem>>) offsets(%dma_start3A_48 : memref<80xi32, #tpu.memory_space<vmem>>) semaphore(%arg11 : memref<!tpu.dma_semaphore, #tpu.memory_space<semaphore_mem>>)
      %dma_start3A_52 = arith.constant 2 : i32
      %dma_start3A_53 = arith.constant 2 : i32
      %dma_start3A_54 = arith.constant 0 : i32
      %dma_start3A_55 = arith.constant 0 : i32
      %dma_start3A_56 = tpu.memref_slice %arg10[%dma_start3A_53, %dma_start3A_54, %dma_start3A_55] : memref<4x80x128xf32, #tpu.memory_space<vmem>> -> memref<1x80x128xf32, #tpu.memory_space<vmem>>
      %dma_start3A_57 = tpu.memref_squeeze %dma_start3A_56 : memref<1x80x128xf32, #tpu.memory_space<vmem>> -> memref<80x128xf32, #tpu.memory_space<vmem>>
      %dma_start3A_58 = arith.constant 0 : i32
      %dma_start3A_59 = tpu.memref_slice %arg8[%dma_start3A_52, %dma_start3A_58] : memref<25x80xi32, #tpu.memory_space<vmem>> -> memref<1x80xi32, #tpu.memory_space<vmem>>
      %dma_start3A_60 = tpu.memref_squeeze %dma_start3A_59 : memref<1x80xi32, #tpu.memory_space<vmem>> -> memref<80xi32, #tpu.memory_space<vmem>>
      %dma_start3A_61 = arith.constant 0 : i32
      %dma_start3A_62 = arith.constant 0 : i32
      %dma_start3A_63 = tpu.memref_slice %arg2[%dma_start3A_61, %dma_start3A_62] : memref<10000x128xf32, #tpu.memory_space<hbm>> -> memref<10000x128xf32, #tpu.memory_space<hbm>>
      tpu.enqueue_indirect_dma source(%dma_start3A_63 : memref<10000x128xf32, #tpu.memory_space<hbm>>) target(%dma_start3A_57 : memref<80x128xf32, #tpu.memory_space<vmem>>) offsets(%dma_start3A_60 : memref<80xi32, #tpu.memory_space<vmem>>) semaphore(%arg11 : memref<!tpu.dma_semaphore, #tpu.memory_space<semaphore_mem>>)
      %scan3A_64 = arith.constant 0 : i32
      %scan3A_65 = arith.constant 25 : i32
      %scan3A_66 = arith.addi %scan3A_64, %scan3A_65 : i32
      %scan3A_67 = arith.constant 1 : i32
      scf.for %scan3A_69 = %scan3A_64 to %scan3A_66 step %scan3A_67  : i32 {
        %mul3A_70 = arith.constant 1 : i32
        %mul3A_71 = arith.muli %scan3A_69, %mul3A_70 : i32
        %add3A_72 = arith.constant 0 : i32
        %add3A_73 = arith.addi %add3A_72, %mul3A_71 : i32
        %rem3A = arith.constant 4 : i32
        %rem3A_74 = arith.remsi %add3A_73, %rem3A : i32
        %dma_wait3A = arith.constant 0 : i32
        %dma_wait3A_75 = arith.constant 0 : i32
        %dma_wait3A_76 = tpu.memref_slice %arg10[%rem3A_74, %dma_wait3A, %dma_wait3A_75] : memref<4x80x128xf32, #tpu.memory_space<vmem>> -> memref<1x80x128xf32, #tpu.memory_space<vmem>>
        %dma_wait3A_77 = tpu.memref_squeeze %dma_wait3A_76 : memref<1x80x128xf32, #tpu.memory_space<vmem>> -> memref<80x128xf32, #tpu.memory_space<vmem>>
        %dma_wait3A_78 = arith.constant 0 : i32
        %dma_wait3A_79 = tpu.memref_slice %arg8[%add3A_73, %dma_wait3A_78] : memref<25x80xi32, #tpu.memory_space<vmem>> -> memref<1x80xi32, #tpu.memory_space<vmem>>
        %dma_wait3A_80 = tpu.memref_squeeze %dma_wait3A_79 : memref<1x80xi32, #tpu.memory_space<vmem>> -> memref<80xi32, #tpu.memory_space<vmem>>
        %dma_wait3A_81 = arith.constant 0 : i32
        %dma_wait3A_82 = arith.constant 0 : i32
        %dma_wait3A_83 = tpu.memref_slice %arg2[%dma_wait3A_81, %dma_wait3A_82] : memref<10000x128xf32, #tpu.memory_space<hbm>> -> memref<10000x128xf32, #tpu.memory_space<hbm>>
        tpu.wait_indirect_dma semaphore(%arg11 : memref<!tpu.dma_semaphore, #tpu.memory_space<semaphore_mem>>) src(%dma_wait3A_83 : memref<10000x128xf32, #tpu.memory_space<hbm>>) dst(%dma_wait3A_77 : memref<80x128xf32, #tpu.memory_space<vmem>>)
        %lt3A_84 = arith.constant 22 : i32
        %lt3A_85 = arith.cmpi slt, %add3A_73, %lt3A_84 : i32
        %convert_element_type3A_86 = arith.extui %lt3A_85 : i1 to i32
        %cond3A_87 = arith.constant 0 : i32
        %cond3A_88 = arith.cmpi ne, %convert_element_type3A_86, %cond3A_87 : i32
        scf.if %cond3A_88 {
          %add3A_89 = arith.constant 3 : i32
          %add3A_90 = arith.addi %add3A_73, %add3A_89 : i32
          %add3A_91 = arith.constant 3 : i32
          %add3A_92 = arith.addi %add3A_73, %add3A_91 : i32
          %rem3A_93 = arith.constant 4 : i32
          %rem3A_94 = arith.remsi %add3A_92, %rem3A_93 : i32
          %dma_start3A_95 = arith.constant 0 : i32
          %dma_start3A_96 = arith.constant 0 : i32
          %dma_start3A_97 = tpu.memref_slice %arg10[%rem3A_94, %dma_start3A_95, %dma_start3A_96] : memref<4x80x128xf32, #tpu.memory_space<vmem>> -> memref<1x80x128xf32, #tpu.memory_space<vmem>>
          %dma_start3A_98 = tpu.memref_squeeze %dma_start3A_97 : memref<1x80x128xf32, #tpu.memory_space<vmem>> -> memref<80x128xf32, #tpu.memory_space<vmem>>
          %dma_start3A_99 = arith.constant 0 : i32
          %dma_start3A_100 = tpu.memref_slice %arg8[%add3A_90, %dma_start3A_99] : memref<25x80xi32, #tpu.memory_space<vmem>> -> memref<1x80xi32, #tpu.memory_space<vmem>>
          %dma_start3A_101 = tpu.memref_squeeze %dma_start3A_100 : memref<1x80xi32, #tpu.memory_space<vmem>> -> memref<80xi32, #tpu.memory_space<vmem>>
          %dma_start3A_102 = arith.constant 0 : i32
          %dma_start3A_103 = arith.constant 0 : i32
          %dma_start3A_104 = tpu.memref_slice %arg2[%dma_start3A_102, %dma_start3A_103] : memref<10000x128xf32, #tpu.memory_space<hbm>> -> memref<10000x128xf32, #tpu.memory_space<hbm>>
          tpu.enqueue_indirect_dma source(%dma_start3A_104 : memref<10000x128xf32, #tpu.memory_space<hbm>>) target(%dma_start3A_98 : memref<80x128xf32, #tpu.memory_space<vmem>>) offsets(%dma_start3A_101 : memref<80xi32, #tpu.memory_space<vmem>>) semaphore(%arg11 : memref<!tpu.dma_semaphore, #tpu.memory_space<semaphore_mem>>)
        } else {
        }
        "tpu.region"() ({
          %run_scoped3A = tpu.sem_alloc : memref<!tpu.dma_semaphore, #tpu.memory_space<semaphore_mem>>
          %dma_start3A_89 = arith.constant 0 : i32
          %dma_start3A_90 = arith.constant 0 : i32
          %dma_start3A_91 = tpu.memref_slice %arg10[%rem3A_74, %dma_start3A_89, %dma_start3A_90] : memref<4x80x128xf32, #tpu.memory_space<vmem>> -> memref<1x80x128xf32, #tpu.memory_space<vmem>>
          %dma_start3A_92 = tpu.memref_squeeze %dma_start3A_91 : memref<1x80x128xf32, #tpu.memory_space<vmem>> -> memref<80x128xf32, #tpu.memory_space<vmem>>
          %dma_start3A_93 = arith.constant 0 : i32
          %dma_start3A_94 = tpu.memref_slice %arg9[%add3A_73, %dma_start3A_93] : memref<25x80xi32, #tpu.memory_space<vmem>> -> memref<1x80xi32, #tpu.memory_space<vmem>>
          %dma_start3A_95 = tpu.memref_squeeze %dma_start3A_94 : memref<1x80xi32, #tpu.memory_space<vmem>> -> memref<80xi32, #tpu.memory_space<vmem>>
          %dma_start3A_96 = arith.constant 0 : i32
          %dma_start3A_97 = arith.constant 0 : i32
          %dma_start3A_98 = tpu.memref_slice %arg7[%dma_start3A_96, %dma_start3A_97] : memref<10000x128xf32, #tpu.memory_space<vmem_shared>> -> memref<10000x128xf32, #tpu.memory_space<vmem_shared>>
          tpu.enqueue_indirect_dma source(%dma_start3A_92 : memref<80x128xf32, #tpu.memory_space<vmem>>) target(%dma_start3A_98 : memref<10000x128xf32, #tpu.memory_space<vmem_shared>>) offsets(%dma_start3A_95 : memref<80xi32, #tpu.memory_space<vmem>>) semaphore(%run_scoped3A : memref<!tpu.dma_semaphore, #tpu.memory_space<semaphore_mem>>) {add = true}
          %dma_wait3A_99 = arith.constant 0 : i32
          %dma_wait3A_100 = arith.constant 0 : i32
          %dma_wait3A_101 = tpu.memref_slice %arg10[%rem3A_74, %dma_wait3A_99, %dma_wait3A_100] : memref<4x80x128xf32, #tpu.memory_space<vmem>> -> memref<1x80x128xf32, #tpu.memory_space<vmem>>
          %dma_wait3A_102 = tpu.memref_squeeze %dma_wait3A_101 : memref<1x80x128xf32, #tpu.memory_space<vmem>> -> memref<80x128xf32, #tpu.memory_space<vmem>>
          %dma_wait3A_103 = arith.constant 0 : i32
          %dma_wait3A_104 = tpu.memref_slice %arg9[%add3A_73, %dma_wait3A_103] : memref<25x80xi32, #tpu.memory_space<vmem>> -> memref<1x80xi32, #tpu.memory_space<vmem>>
          %dma_wait3A_105 = tpu.memref_squeeze %dma_wait3A_104 : memref<1x80xi32, #tpu.memory_space<vmem>> -> memref<80xi32, #tpu.memory_space<vmem>>
          %dma_wait3A_106 = arith.constant 0 : i32
          %dma_wait3A_107 = arith.constant 0 : i32
          %dma_wait3A_108 = tpu.memref_slice %arg7[%dma_wait3A_106, %dma_wait3A_107] : memref<10000x128xf32, #tpu.memory_space<vmem_shared>> -> memref<10000x128xf32, #tpu.memory_space<vmem_shared>>
          tpu.wait_indirect_dma semaphore(%run_scoped3A : memref<!tpu.dma_semaphore, #tpu.memory_space<semaphore_mem>>) src(%dma_wait3A_102 : memref<80x128xf32, #tpu.memory_space<vmem>>) dst(%dma_wait3A_108 : memref<10000x128xf32, #tpu.memory_space<vmem_shared>>)
          tpu.yield
        }) : () -> ()
      }
      %scan3A_68 = arith.constant 25 : i32
    }
    %scan3A_10 = arith.constant 5 : i32
    %barrier3A_11 = arith.constant 0 : index
    tpu.barrier barrier_id(%barrier3A_11)
    %mul3A_12 = arith.constant 632 : i32
    %mul3A_13 = arith.muli %arg1, %mul3A_12 : i32
    %multiple_of3A_14 = tpu.assume_multiple %mul3A_13, 8 : i32
    %lt3A_15 = arith.constant 15 : i32
    %lt3A_16 = arith.cmpi slt, %arg1, %lt3A_15 : i32
    %convert_element_type3A_17 = arith.extui %lt3A_16 : i1 to i32
    %cond3A_18 = arith.constant 0 : i32
    %cond3A_19 = arith.cmpi ne, %convert_element_type3A_17, %cond3A_18 : i32
    scf.if %cond3A_19 {
      "tpu.region"() ({
        %run_scoped3A = tpu.sem_alloc : memref<!tpu.dma_semaphore, #tpu.memory_space<semaphore_mem>>
        %dma_start3A = arith.constant 0 : i32
        %dma_start3A_25 = arith.constant 0 : i32
        %dma_start3A_26 = tpu.memref_slice %arg6[%arg0, %dma_start3A, %dma_start3A_25] : memref<2x10000x128xf32, #tpu.memory_space<hbm>> -> memref<1x10000x128xf32, #tpu.memory_space<hbm>>
        %dma_start3A_27 = tpu.memref_squeeze %dma_start3A_26 : memref<1x10000x128xf32, #tpu.memory_space<hbm>> -> memref<10000x128xf32, #tpu.memory_space<hbm>>
        %dma_start3A_28 = arith.constant 0 : i32
        %dma_start3A_29 = tpu.memref_slice %dma_start3A_27[%multiple_of3A_14, %dma_start3A_28] : memref<10000x128xf32, #tpu.memory_space<hbm>> -> memref<632x128xf32, #tpu.memory_space<hbm>>
        %dma_start3A_30 = arith.constant 0 : i32
        %dma_start3A_31 = tpu.memref_slice %arg7[%multiple_of3A_14, %dma_start3A_30] : memref<10000x128xf32, #tpu.memory_space<vmem_shared>> -> memref<632x128xf32, #tpu.memory_space<vmem_shared>>
        tpu.enqueue_dma source(%dma_start3A_31 : memref<632x128xf32, #tpu.memory_space<vmem_shared>>) target(%dma_start3A_29 : memref<632x128xf32, #tpu.memory_space<hbm>>) target_semaphore(%run_scoped3A : memref<!tpu.dma_semaphore, #tpu.memory_space<semaphore_mem>>)
        %dma_wait3A = arith.constant 0 : i32
        %dma_wait3A_32 = arith.constant 0 : i32
        %dma_wait3A_33 = tpu.memref_slice %arg6[%arg0, %dma_wait3A, %dma_wait3A_32] : memref<2x10000x128xf32, #tpu.memory_space<hbm>> -> memref<1x10000x128xf32, #tpu.memory_space<hbm>>
        %dma_wait3A_34 = tpu.memref_squeeze %dma_wait3A_33 : memref<1x10000x128xf32, #tpu.memory_space<hbm>> -> memref<10000x128xf32, #tpu.memory_space<hbm>>
        %dma_wait3A_35 = arith.constant 0 : i32
        %dma_wait3A_36 = tpu.memref_slice %dma_wait3A_34[%multiple_of3A_14, %dma_wait3A_35] : memref<10000x128xf32, #tpu.memory_space<hbm>> -> memref<632x128xf32, #tpu.memory_space<hbm>>
        %dma_wait3A_37 = arith.constant 0 : i32
        %dma_wait3A_38 = tpu.memref_slice %arg7[%multiple_of3A_14, %dma_wait3A_37] : memref<10000x128xf32, #tpu.memory_space<vmem_shared>> -> memref<632x128xf32, #tpu.memory_space<vmem_shared>>
        tpu.wait_dma2 semaphore(%run_scoped3A : memref<!tpu.dma_semaphore, #tpu.memory_space<semaphore_mem>>) src(%dma_wait3A_38 : memref<632x128xf32, #tpu.memory_space<vmem_shared>>) dst(%dma_wait3A_36 : memref<632x128xf32, #tpu.memory_space<hbm>>)
        tpu.yield
      }) : () -> ()
    } else {
    }
    %eq3A_20 = arith.constant 15 : i32
    %eq3A_21 = arith.cmpi eq, %arg1, %eq3A_20 : i32
    %convert_element_type3A_22 = arith.extui %eq3A_21 : i1 to i32
    %cond3A_23 = arith.constant 0 : i32
    %cond3A_24 = arith.cmpi ne, %convert_element_type3A_22, %cond3A_23 : i32
    scf.if %cond3A_24 {
      "tpu.region"() ({
        %run_scoped3A = tpu.sem_alloc : memref<!tpu.dma_semaphore, #tpu.memory_space<semaphore_mem>>
        %dma_start3A = arith.constant 0 : i32
        %dma_start3A_25 = arith.constant 0 : i32
        %dma_start3A_26 = tpu.memref_slice %arg6[%arg0, %dma_start3A, %dma_start3A_25] : memref<2x10000x128xf32, #tpu.memory_space<hbm>> -> memref<1x10000x128xf32, #tpu.memory_space<hbm>>
        %dma_start3A_27 = tpu.memref_squeeze %dma_start3A_26 : memref<1x10000x128xf32, #tpu.memory_space<hbm>> -> memref<10000x128xf32, #tpu.memory_space<hbm>>
        %dma_start3A_28 = arith.constant 0 : i32
        %dma_start3A_29 = tpu.memref_slice %dma_start3A_27[%multiple_of3A_14, %dma_start3A_28] : memref<10000x128xf32, #tpu.memory_space<hbm>> -> memref<520x128xf32, #tpu.memory_space<hbm>>
        %dma_start3A_30 = arith.constant 0 : i32
        %dma_start3A_31 = tpu.memref_slice %arg7[%multiple_of3A_14, %dma_start3A_30] : memref<10000x128xf32, #tpu.memory_space<vmem_shared>> -> memref<520x128xf32, #tpu.memory_space<vmem_shared>>
        tpu.enqueue_dma source(%dma_start3A_31 : memref<520x128xf32, #tpu.memory_space<vmem_shared>>) target(%dma_start3A_29 : memref<520x128xf32, #tpu.memory_space<hbm>>) target_semaphore(%run_scoped3A : memref<!tpu.dma_semaphore, #tpu.memory_space<semaphore_mem>>)
        %dma_wait3A = arith.constant 0 : i32
        %dma_wait3A_32 = arith.constant 0 : i32
        %dma_wait3A_33 = tpu.memref_slice %arg6[%arg0, %dma_wait3A, %dma_wait3A_32] : memref<2x10000x128xf32, #tpu.memory_space<hbm>> -> memref<1x10000x128xf32, #tpu.memory_space<hbm>>
        %dma_wait3A_34 = tpu.memref_squeeze %dma_wait3A_33 : memref<1x10000x128xf32, #tpu.memory_space<hbm>> -> memref<10000x128xf32, #tpu.memory_space<hbm>>
        %dma_wait3A_35 = arith.constant 0 : i32
        %dma_wait3A_36 = tpu.memref_slice %dma_wait3A_34[%multiple_of3A_14, %dma_wait3A_35] : memref<10000x128xf32, #tpu.memory_space<hbm>> -> memref<520x128xf32, #tpu.memory_space<hbm>>
        %dma_wait3A_37 = arith.constant 0 : i32
        %dma_wait3A_38 = tpu.memref_slice %arg7[%multiple_of3A_14, %dma_wait3A_37] : memref<10000x128xf32, #tpu.memory_space<vmem_shared>> -> memref<520x128xf32, #tpu.memory_space<vmem_shared>>
        tpu.wait_dma2 semaphore(%run_scoped3A : memref<!tpu.dma_semaphore, #tpu.memory_space<semaphore_mem>>) src(%dma_wait3A_38 : memref<520x128xf32, #tpu.memory_space<vmem_shared>>) dst(%dma_wait3A_36 : memref<520x128xf32, #tpu.memory_space<hbm>>)
        tpu.yield
      }) : () -> ()
    } else {
    }
    return
  }
}

#map = affine_map<(d0, d1) -> (0, 0, 0, 0, 0)>
#map1 = affine_map<(d0, d1) -> (0, 0)>
#map2 = affine_map<(d0, d1) -> (0, 0, 0)>
module attributes {stable_mosaic.version = 14 : i64} {
  func.func @_dego_kernel(%arg0: i32, %arg1: i32, %arg2: memref<2x16x5x25x80xi32, #tpu.memory_space<hbm>>, %arg3: memref<80x128xf32, #tpu.memory_space<hbm>>, %arg4: memref<632x128xf32, #tpu.memory_space<hbm>>, %arg5: memref<2x10000x128xf32, #tpu.memory_space<hbm>>, %arg6: memref<10000x128xf32, #tpu.memory_space<vmem_shared>>, %arg7: memref<25x80xi32, #tpu.memory_space<vmem>>, %arg8: memref<80x128xf32, #tpu.memory_space<vmem>>) attributes {dimension_semantics = [#tpu.dimension_semantics<core_parallel>, #tpu.dimension_semantics<subcore_parallel>], iteration_bounds = array<i64: 2, 16>, scalar_prefetch = 0 : i64, scratch_operands = 3 : i64, tpu.core_type = #tpu.core_type<sc_vector_subcore>, window_params = [{transform_indices = #map}, {transform_indices = #map1}, {transform_indices = #map1}, {transform_indices = #map2}]} {
    %mul3A = arith.constant 632 : i32
    %mul3A_0 = arith.muli %arg1, %mul3A : i32
    %multiple_of3A = tpu.assume_multiple %mul3A_0, 8 : i32
    %lt3A = arith.constant 15 : i32
    %lt3A_1 = arith.cmpi slt, %arg1, %lt3A : i32
    %convert_element_type3A = arith.extui %lt3A_1 : i1 to i32
    %cond3A = arith.constant 0 : i32
    %cond3A_2 = arith.cmpi ne, %convert_element_type3A, %cond3A : i32
    scf.if %cond3A_2 {
      "tpu.region"() ({
        %run_scoped3A = tpu.sem_alloc : memref<!tpu.dma_semaphore, #tpu.memory_space<semaphore_mem>>
        %dma_start3A = arith.constant 0 : i32
        %dma_start3A_25 = tpu.memref_slice %arg6[%multiple_of3A, %dma_start3A] : memref<10000x128xf32, #tpu.memory_space<vmem_shared>> -> memref<632x128xf32, #tpu.memory_space<vmem_shared>>
        %dma_start3A_26 = arith.constant 0 : i32
        %dma_start3A_27 = arith.constant 0 : i32
        %dma_start3A_28 = tpu.memref_slice %arg4[%dma_start3A_26, %dma_start3A_27] : memref<632x128xf32, #tpu.memory_space<hbm>> -> memref<632x128xf32, #tpu.memory_space<hbm>>
        tpu.enqueue_dma source(%dma_start3A_28 : memref<632x128xf32, #tpu.memory_space<hbm>>) target(%dma_start3A_25 : memref<632x128xf32, #tpu.memory_space<vmem_shared>>) target_semaphore(%run_scoped3A : memref<!tpu.dma_semaphore, #tpu.memory_space<semaphore_mem>>)
        %dma_wait3A = arith.constant 0 : i32
        %dma_wait3A_29 = tpu.memref_slice %arg6[%multiple_of3A, %dma_wait3A] : memref<10000x128xf32, #tpu.memory_space<vmem_shared>> -> memref<632x128xf32, #tpu.memory_space<vmem_shared>>
        %dma_wait3A_30 = arith.constant 0 : i32
        %dma_wait3A_31 = arith.constant 0 : i32
        %dma_wait3A_32 = tpu.memref_slice %arg4[%dma_wait3A_30, %dma_wait3A_31] : memref<632x128xf32, #tpu.memory_space<hbm>> -> memref<632x128xf32, #tpu.memory_space<hbm>>
        tpu.wait_dma2 semaphore(%run_scoped3A : memref<!tpu.dma_semaphore, #tpu.memory_space<semaphore_mem>>) src(%dma_wait3A_32 : memref<632x128xf32, #tpu.memory_space<hbm>>) dst(%dma_wait3A_29 : memref<632x128xf32, #tpu.memory_space<vmem_shared>>)
        tpu.yield
      }) : () -> ()
    } else {
    }
    %eq3A = arith.constant 15 : i32
    %eq3A_3 = arith.cmpi eq, %arg1, %eq3A : i32
    %convert_element_type3A_4 = arith.extui %eq3A_3 : i1 to i32
    %cond3A_5 = arith.constant 0 : i32
    %cond3A_6 = arith.cmpi ne, %convert_element_type3A_4, %cond3A_5 : i32
    scf.if %cond3A_6 {
      "tpu.region"() ({
        %run_scoped3A = tpu.sem_alloc : memref<!tpu.dma_semaphore, #tpu.memory_space<semaphore_mem>>
        %dma_start3A = arith.constant 0 : i32
        %dma_start3A_25 = tpu.memref_slice %arg6[%multiple_of3A, %dma_start3A] : memref<10000x128xf32, #tpu.memory_space<vmem_shared>> -> memref<520x128xf32, #tpu.memory_space<vmem_shared>>
        %dma_start3A_26 = arith.constant 0 : i32
        %dma_start3A_27 = arith.constant 0 : i32
        %dma_start3A_28 = tpu.memref_slice %arg4[%dma_start3A_26, %dma_start3A_27] : memref<632x128xf32, #tpu.memory_space<hbm>> -> memref<520x128xf32, #tpu.memory_space<hbm>>
        tpu.enqueue_dma source(%dma_start3A_28 : memref<520x128xf32, #tpu.memory_space<hbm>>) target(%dma_start3A_25 : memref<520x128xf32, #tpu.memory_space<vmem_shared>>) target_semaphore(%run_scoped3A : memref<!tpu.dma_semaphore, #tpu.memory_space<semaphore_mem>>)
        %dma_wait3A = arith.constant 0 : i32
        %dma_wait3A_29 = tpu.memref_slice %arg6[%multiple_of3A, %dma_wait3A] : memref<10000x128xf32, #tpu.memory_space<vmem_shared>> -> memref<520x128xf32, #tpu.memory_space<vmem_shared>>
        %dma_wait3A_30 = arith.constant 0 : i32
        %dma_wait3A_31 = arith.constant 0 : i32
        %dma_wait3A_32 = tpu.memref_slice %arg4[%dma_wait3A_30, %dma_wait3A_31] : memref<632x128xf32, #tpu.memory_space<hbm>> -> memref<520x128xf32, #tpu.memory_space<hbm>>
        tpu.wait_dma2 semaphore(%run_scoped3A : memref<!tpu.dma_semaphore, #tpu.memory_space<semaphore_mem>>) src(%dma_wait3A_32 : memref<520x128xf32, #tpu.memory_space<hbm>>) dst(%dma_wait3A_29 : memref<520x128xf32, #tpu.memory_space<vmem_shared>>)
        tpu.yield
      }) : () -> ()
    } else {
    }
    "tpu.region"() ({
      %run_scoped3A = tpu.sem_alloc : memref<!tpu.dma_semaphore, #tpu.memory_space<semaphore_mem>>
      tpu.enqueue_dma source(%arg3 : memref<80x128xf32, #tpu.memory_space<hbm>>) target(%arg8 : memref<80x128xf32, #tpu.memory_space<vmem>>) target_semaphore(%run_scoped3A : memref<!tpu.dma_semaphore, #tpu.memory_space<semaphore_mem>>)
      tpu.wait_dma2 semaphore(%run_scoped3A : memref<!tpu.dma_semaphore, #tpu.memory_space<semaphore_mem>>) src(%arg3 : memref<80x128xf32, #tpu.memory_space<hbm>>) dst(%arg8 : memref<80x128xf32, #tpu.memory_space<vmem>>)
      tpu.yield
    }) : () -> ()
    %barrier3A = arith.constant 0 : index
    tpu.barrier barrier_id(%barrier3A)
    %scan3A = arith.constant 0 : i32
    %scan3A_7 = arith.constant 125 : i32
    %scan3A_8 = arith.addi %scan3A, %scan3A_7 : i32
    %scan3A_9 = arith.constant 1 : i32
    scf.for %scan3A_25 = %scan3A to %scan3A_8 step %scan3A_9  : i32 {
      %mul3A_26 = arith.constant 1 : i32
      %mul3A_27 = arith.muli %scan3A_25, %mul3A_26 : i32
      %add3A = arith.constant 0 : i32
      %add3A_28 = arith.addi %add3A, %mul3A_27 : i32
      %rem3A = arith.constant 25 : i32
      %rem3A_29 = arith.remsi %add3A_28, %rem3A : i32
      %div3A = arith.constant 25 : i32
      %div3A_30 = arith.divsi %add3A_28, %div3A : i32
      %eq3A_31 = arith.constant 0 : i32
      %eq3A_32 = arith.cmpi eq, %rem3A_29, %eq3A_31 : i32
      %convert_element_type3A_33 = arith.extui %eq3A_32 : i1 to i32
      %cond3A_34 = arith.constant 0 : i32
      %cond3A_35 = arith.cmpi ne, %convert_element_type3A_33, %cond3A_34 : i32
      scf.if %cond3A_35 {
        "tpu.region"() ({
          %run_scoped3A = tpu.sem_alloc : memref<!tpu.dma_semaphore, #tpu.memory_space<semaphore_mem>>
          %dma_start3A = arith.constant 0 : i32
          %dma_start3A_36 = arith.constant 0 : i32
          %dma_start3A_37 = arith.constant 0 : i32
          %dma_start3A_38 = arith.constant 0 : i32
          %dma_start3A_39 = tpu.memref_slice %arg2[%arg0, %dma_start3A, %dma_start3A_36, %dma_start3A_37, %dma_start3A_38] : memref<2x16x5x25x80xi32, #tpu.memory_space<hbm>> -> memref<1x16x5x25x80xi32, #tpu.memory_space<hbm>>
          %dma_start3A_40 = tpu.memref_squeeze %dma_start3A_39 : memref<1x16x5x25x80xi32, #tpu.memory_space<hbm>> -> memref<16x5x25x80xi32, #tpu.memory_space<hbm>>
          %dma_start3A_41 = arith.constant 0 : i32
          %dma_start3A_42 = arith.constant 0 : i32
          %dma_start3A_43 = arith.constant 0 : i32
          %dma_start3A_44 = tpu.memref_slice %dma_start3A_40[%arg1, %dma_start3A_41, %dma_start3A_42, %dma_start3A_43] : memref<16x5x25x80xi32, #tpu.memory_space<hbm>> -> memref<1x5x25x80xi32, #tpu.memory_space<hbm>>
          %dma_start3A_45 = tpu.memref_squeeze %dma_start3A_44 : memref<1x5x25x80xi32, #tpu.memory_space<hbm>> -> memref<5x25x80xi32, #tpu.memory_space<hbm>>
          %dma_start3A_46 = arith.constant 0 : i32
          %dma_start3A_47 = arith.constant 0 : i32
          %dma_start3A_48 = tpu.memref_slice %dma_start3A_45[%div3A_30, %dma_start3A_46, %dma_start3A_47] : memref<5x25x80xi32, #tpu.memory_space<hbm>> -> memref<1x25x80xi32, #tpu.memory_space<hbm>>
          %dma_start3A_49 = tpu.memref_squeeze %dma_start3A_48 : memref<1x25x80xi32, #tpu.memory_space<hbm>> -> memref<25x80xi32, #tpu.memory_space<hbm>>
          %dma_start3A_50 = arith.constant 0 : i32
          %dma_start3A_51 = arith.constant 0 : i32
          %dma_start3A_52 = arith.constant 0 : i32
          %dma_start3A_53 = arith.constant 0 : i32
          %dma_start3A_54 = tpu.memref_slice %arg2[%arg0, %dma_start3A_50, %dma_start3A_51, %dma_start3A_52, %dma_start3A_53] : memref<2x16x5x25x80xi32, #tpu.memory_space<hbm>> -> memref<1x16x5x25x80xi32, #tpu.memory_space<hbm>>
          %dma_start3A_55 = tpu.memref_squeeze %dma_start3A_54 : memref<1x16x5x25x80xi32, #tpu.memory_space<hbm>> -> memref<16x5x25x80xi32, #tpu.memory_space<hbm>>
          %dma_start3A_56 = arith.constant 0 : i32
          %dma_start3A_57 = arith.constant 0 : i32
          %dma_start3A_58 = arith.constant 0 : i32
          %dma_start3A_59 = tpu.memref_slice %dma_start3A_55[%arg1, %dma_start3A_56, %dma_start3A_57, %dma_start3A_58] : memref<16x5x25x80xi32, #tpu.memory_space<hbm>> -> memref<1x5x25x80xi32, #tpu.memory_space<hbm>>
          %dma_start3A_60 = tpu.memref_squeeze %dma_start3A_59 : memref<1x5x25x80xi32, #tpu.memory_space<hbm>> -> memref<5x25x80xi32, #tpu.memory_space<hbm>>
          %dma_start3A_61 = arith.constant 0 : i32
          %dma_start3A_62 = arith.constant 0 : i32
          %dma_start3A_63 = tpu.memref_slice %dma_start3A_60[%div3A_30, %dma_start3A_61, %dma_start3A_62] : memref<5x25x80xi32, #tpu.memory_space<hbm>> -> memref<1x25x80xi32, #tpu.memory_space<hbm>>
          %dma_start3A_64 = tpu.memref_squeeze %dma_start3A_63 : memref<1x25x80xi32, #tpu.memory_space<hbm>> -> memref<25x80xi32, #tpu.memory_space<hbm>>
          tpu.enqueue_dma source(%dma_start3A_64 : memref<25x80xi32, #tpu.memory_space<hbm>>) target(%arg7 : memref<25x80xi32, #tpu.memory_space<vmem>>) target_semaphore(%run_scoped3A : memref<!tpu.dma_semaphore, #tpu.memory_space<semaphore_mem>>)
          %dma_wait3A = arith.constant 0 : i32
          %dma_wait3A_65 = arith.constant 0 : i32
          %dma_wait3A_66 = arith.constant 0 : i32
          %dma_wait3A_67 = arith.constant 0 : i32
          %dma_wait3A_68 = tpu.memref_slice %arg2[%arg0, %dma_wait3A, %dma_wait3A_65, %dma_wait3A_66, %dma_wait3A_67] : memref<2x16x5x25x80xi32, #tpu.memory_space<hbm>> -> memref<1x16x5x25x80xi32, #tpu.memory_space<hbm>>
          %dma_wait3A_69 = tpu.memref_squeeze %dma_wait3A_68 : memref<1x16x5x25x80xi32, #tpu.memory_space<hbm>> -> memref<16x5x25x80xi32, #tpu.memory_space<hbm>>
          %dma_wait3A_70 = arith.constant 0 : i32
          %dma_wait3A_71 = arith.constant 0 : i32
          %dma_wait3A_72 = arith.constant 0 : i32
          %dma_wait3A_73 = tpu.memref_slice %dma_wait3A_69[%arg1, %dma_wait3A_70, %dma_wait3A_71, %dma_wait3A_72] : memref<16x5x25x80xi32, #tpu.memory_space<hbm>> -> memref<1x5x25x80xi32, #tpu.memory_space<hbm>>
          %dma_wait3A_74 = tpu.memref_squeeze %dma_wait3A_73 : memref<1x5x25x80xi32, #tpu.memory_space<hbm>> -> memref<5x25x80xi32, #tpu.memory_space<hbm>>
          %dma_wait3A_75 = arith.constant 0 : i32
          %dma_wait3A_76 = arith.constant 0 : i32
          %dma_wait3A_77 = tpu.memref_slice %dma_wait3A_74[%div3A_30, %dma_wait3A_75, %dma_wait3A_76] : memref<5x25x80xi32, #tpu.memory_space<hbm>> -> memref<1x25x80xi32, #tpu.memory_space<hbm>>
          %dma_wait3A_78 = tpu.memref_squeeze %dma_wait3A_77 : memref<1x25x80xi32, #tpu.memory_space<hbm>> -> memref<25x80xi32, #tpu.memory_space<hbm>>
          %dma_wait3A_79 = arith.constant 0 : i32
          %dma_wait3A_80 = arith.constant 0 : i32
          %dma_wait3A_81 = arith.constant 0 : i32
          %dma_wait3A_82 = arith.constant 0 : i32
          %dma_wait3A_83 = tpu.memref_slice %arg2[%arg0, %dma_wait3A_79, %dma_wait3A_80, %dma_wait3A_81, %dma_wait3A_82] : memref<2x16x5x25x80xi32, #tpu.memory_space<hbm>> -> memref<1x16x5x25x80xi32, #tpu.memory_space<hbm>>
          %dma_wait3A_84 = tpu.memref_squeeze %dma_wait3A_83 : memref<1x16x5x25x80xi32, #tpu.memory_space<hbm>> -> memref<16x5x25x80xi32, #tpu.memory_space<hbm>>
          %dma_wait3A_85 = arith.constant 0 : i32
          %dma_wait3A_86 = arith.constant 0 : i32
          %dma_wait3A_87 = arith.constant 0 : i32
          %dma_wait3A_88 = tpu.memref_slice %dma_wait3A_84[%arg1, %dma_wait3A_85, %dma_wait3A_86, %dma_wait3A_87] : memref<16x5x25x80xi32, #tpu.memory_space<hbm>> -> memref<1x5x25x80xi32, #tpu.memory_space<hbm>>
          %dma_wait3A_89 = tpu.memref_squeeze %dma_wait3A_88 : memref<1x5x25x80xi32, #tpu.memory_space<hbm>> -> memref<5x25x80xi32, #tpu.memory_space<hbm>>
          %dma_wait3A_90 = arith.constant 0 : i32
          %dma_wait3A_91 = arith.constant 0 : i32
          %dma_wait3A_92 = tpu.memref_slice %dma_wait3A_89[%div3A_30, %dma_wait3A_90, %dma_wait3A_91] : memref<5x25x80xi32, #tpu.memory_space<hbm>> -> memref<1x25x80xi32, #tpu.memory_space<hbm>>
          %dma_wait3A_93 = tpu.memref_squeeze %dma_wait3A_92 : memref<1x25x80xi32, #tpu.memory_space<hbm>> -> memref<25x80xi32, #tpu.memory_space<hbm>>
          tpu.wait_dma2 semaphore(%run_scoped3A : memref<!tpu.dma_semaphore, #tpu.memory_space<semaphore_mem>>) src(%dma_wait3A_93 : memref<25x80xi32, #tpu.memory_space<hbm>>) dst(%arg7 : memref<25x80xi32, #tpu.memory_space<vmem>>)
          tpu.yield
        }) : () -> ()
      } else {
      }
      "tpu.region"() ({
        %run_scoped3A = tpu.sem_alloc : memref<!tpu.dma_semaphore, #tpu.memory_space<semaphore_mem>>
        %dma_start3A = arith.constant 0 : i32
        %dma_start3A_36 = tpu.memref_slice %arg7[%rem3A_29, %dma_start3A] : memref<25x80xi32, #tpu.memory_space<vmem>> -> memref<1x80xi32, #tpu.memory_space<vmem>>
        %dma_start3A_37 = tpu.memref_squeeze %dma_start3A_36 : memref<1x80xi32, #tpu.memory_space<vmem>> -> memref<80xi32, #tpu.memory_space<vmem>>
        %dma_start3A_38 = arith.constant 0 : i32
        %dma_start3A_39 = arith.constant 0 : i32
        %dma_start3A_40 = tpu.memref_slice %arg6[%dma_start3A_38, %dma_start3A_39] : memref<10000x128xf32, #tpu.memory_space<vmem_shared>> -> memref<10000x128xf32, #tpu.memory_space<vmem_shared>>
        tpu.enqueue_indirect_dma source(%arg8 : memref<80x128xf32, #tpu.memory_space<vmem>>) target(%dma_start3A_40 : memref<10000x128xf32, #tpu.memory_space<vmem_shared>>) offsets(%dma_start3A_37 : memref<80xi32, #tpu.memory_space<vmem>>) semaphore(%run_scoped3A : memref<!tpu.dma_semaphore, #tpu.memory_space<semaphore_mem>>) {add = true}
        %dma_wait3A = arith.constant 0 : i32
        %dma_wait3A_41 = tpu.memref_slice %arg7[%rem3A_29, %dma_wait3A] : memref<25x80xi32, #tpu.memory_space<vmem>> -> memref<1x80xi32, #tpu.memory_space<vmem>>
        %dma_wait3A_42 = tpu.memref_squeeze %dma_wait3A_41 : memref<1x80xi32, #tpu.memory_space<vmem>> -> memref<80xi32, #tpu.memory_space<vmem>>
        %dma_wait3A_43 = arith.constant 0 : i32
        %dma_wait3A_44 = arith.constant 0 : i32
        %dma_wait3A_45 = tpu.memref_slice %arg6[%dma_wait3A_43, %dma_wait3A_44] : memref<10000x128xf32, #tpu.memory_space<vmem_shared>> -> memref<10000x128xf32, #tpu.memory_space<vmem_shared>>
        tpu.wait_indirect_dma semaphore(%run_scoped3A : memref<!tpu.dma_semaphore, #tpu.memory_space<semaphore_mem>>) src(%arg8 : memref<80x128xf32, #tpu.memory_space<vmem>>) dst(%dma_wait3A_45 : memref<10000x128xf32, #tpu.memory_space<vmem_shared>>)
        tpu.yield
      }) : () -> ()
    }
    %scan3A_10 = arith.constant 125 : i32
    %barrier3A_11 = arith.constant 0 : index
    tpu.barrier barrier_id(%barrier3A_11)
    %mul3A_12 = arith.constant 632 : i32
    %mul3A_13 = arith.muli %arg1, %mul3A_12 : i32
    %multiple_of3A_14 = tpu.assume_multiple %mul3A_13, 8 : i32
    %lt3A_15 = arith.constant 15 : i32
    %lt3A_16 = arith.cmpi slt, %arg1, %lt3A_15 : i32
    %convert_element_type3A_17 = arith.extui %lt3A_16 : i1 to i32
    %cond3A_18 = arith.constant 0 : i32
    %cond3A_19 = arith.cmpi ne, %convert_element_type3A_17, %cond3A_18 : i32
    scf.if %cond3A_19 {
      "tpu.region"() ({
        %run_scoped3A = tpu.sem_alloc : memref<!tpu.dma_semaphore, #tpu.memory_space<semaphore_mem>>
        %dma_start3A = arith.constant 0 : i32
        %dma_start3A_25 = arith.constant 0 : i32
        %dma_start3A_26 = tpu.memref_slice %arg5[%arg0, %dma_start3A, %dma_start3A_25] : memref<2x10000x128xf32, #tpu.memory_space<hbm>> -> memref<1x10000x128xf32, #tpu.memory_space<hbm>>
        %dma_start3A_27 = tpu.memref_squeeze %dma_start3A_26 : memref<1x10000x128xf32, #tpu.memory_space<hbm>> -> memref<10000x128xf32, #tpu.memory_space<hbm>>
        %dma_start3A_28 = arith.constant 0 : i32
        %dma_start3A_29 = tpu.memref_slice %dma_start3A_27[%multiple_of3A_14, %dma_start3A_28] : memref<10000x128xf32, #tpu.memory_space<hbm>> -> memref<632x128xf32, #tpu.memory_space<hbm>>
        %dma_start3A_30 = arith.constant 0 : i32
        %dma_start3A_31 = tpu.memref_slice %arg6[%multiple_of3A_14, %dma_start3A_30] : memref<10000x128xf32, #tpu.memory_space<vmem_shared>> -> memref<632x128xf32, #tpu.memory_space<vmem_shared>>
        tpu.enqueue_dma source(%dma_start3A_31 : memref<632x128xf32, #tpu.memory_space<vmem_shared>>) target(%dma_start3A_29 : memref<632x128xf32, #tpu.memory_space<hbm>>) target_semaphore(%run_scoped3A : memref<!tpu.dma_semaphore, #tpu.memory_space<semaphore_mem>>)
        %dma_wait3A = arith.constant 0 : i32
        %dma_wait3A_32 = arith.constant 0 : i32
        %dma_wait3A_33 = tpu.memref_slice %arg5[%arg0, %dma_wait3A, %dma_wait3A_32] : memref<2x10000x128xf32, #tpu.memory_space<hbm>> -> memref<1x10000x128xf32, #tpu.memory_space<hbm>>
        %dma_wait3A_34 = tpu.memref_squeeze %dma_wait3A_33 : memref<1x10000x128xf32, #tpu.memory_space<hbm>> -> memref<10000x128xf32, #tpu.memory_space<hbm>>
        %dma_wait3A_35 = arith.constant 0 : i32
        %dma_wait3A_36 = tpu.memref_slice %dma_wait3A_34[%multiple_of3A_14, %dma_wait3A_35] : memref<10000x128xf32, #tpu.memory_space<hbm>> -> memref<632x128xf32, #tpu.memory_space<hbm>>
        %dma_wait3A_37 = arith.constant 0 : i32
        %dma_wait3A_38 = tpu.memref_slice %arg6[%multiple_of3A_14, %dma_wait3A_37] : memref<10000x128xf32, #tpu.memory_space<vmem_shared>> -> memref<632x128xf32, #tpu.memory_space<vmem_shared>>
        tpu.wait_dma2 semaphore(%run_scoped3A : memref<!tpu.dma_semaphore, #tpu.memory_space<semaphore_mem>>) src(%dma_wait3A_38 : memref<632x128xf32, #tpu.memory_space<vmem_shared>>) dst(%dma_wait3A_36 : memref<632x128xf32, #tpu.memory_space<hbm>>)
        tpu.yield
      }) : () -> ()
    } else {
    }
    %eq3A_20 = arith.constant 15 : i32
    %eq3A_21 = arith.cmpi eq, %arg1, %eq3A_20 : i32
    %convert_element_type3A_22 = arith.extui %eq3A_21 : i1 to i32
    %cond3A_23 = arith.constant 0 : i32
    %cond3A_24 = arith.cmpi ne, %convert_element_type3A_22, %cond3A_23 : i32
    scf.if %cond3A_24 {
      "tpu.region"() ({
        %run_scoped3A = tpu.sem_alloc : memref<!tpu.dma_semaphore, #tpu.memory_space<semaphore_mem>>
        %dma_start3A = arith.constant 0 : i32
        %dma_start3A_25 = arith.constant 0 : i32
        %dma_start3A_26 = tpu.memref_slice %arg5[%arg0, %dma_start3A, %dma_start3A_25] : memref<2x10000x128xf32, #tpu.memory_space<hbm>> -> memref<1x10000x128xf32, #tpu.memory_space<hbm>>
        %dma_start3A_27 = tpu.memref_squeeze %dma_start3A_26 : memref<1x10000x128xf32, #tpu.memory_space<hbm>> -> memref<10000x128xf32, #tpu.memory_space<hbm>>
        %dma_start3A_28 = arith.constant 0 : i32
        %dma_start3A_29 = tpu.memref_slice %dma_start3A_27[%multiple_of3A_14, %dma_start3A_28] : memref<10000x128xf32, #tpu.memory_space<hbm>> -> memref<520x128xf32, #tpu.memory_space<hbm>>
        %dma_start3A_30 = arith.constant 0 : i32
        %dma_start3A_31 = tpu.memref_slice %arg6[%multiple_of3A_14, %dma_start3A_30] : memref<10000x128xf32, #tpu.memory_space<vmem_shared>> -> memref<520x128xf32, #tpu.memory_space<vmem_shared>>
        tpu.enqueue_dma source(%dma_start3A_31 : memref<520x128xf32, #tpu.memory_space<vmem_shared>>) target(%dma_start3A_29 : memref<520x128xf32, #tpu.memory_space<hbm>>) target_semaphore(%run_scoped3A : memref<!tpu.dma_semaphore, #tpu.memory_space<semaphore_mem>>)
        %dma_wait3A = arith.constant 0 : i32
        %dma_wait3A_32 = arith.constant 0 : i32
        %dma_wait3A_33 = tpu.memref_slice %arg5[%arg0, %dma_wait3A, %dma_wait3A_32] : memref<2x10000x128xf32, #tpu.memory_space<hbm>> -> memref<1x10000x128xf32, #tpu.memory_space<hbm>>
        %dma_wait3A_34 = tpu.memref_squeeze %dma_wait3A_33 : memref<1x10000x128xf32, #tpu.memory_space<hbm>> -> memref<10000x128xf32, #tpu.memory_space<hbm>>
        %dma_wait3A_35 = arith.constant 0 : i32
        %dma_wait3A_36 = tpu.memref_slice %dma_wait3A_34[%multiple_of3A_14, %dma_wait3A_35] : memref<10000x128xf32, #tpu.memory_space<hbm>> -> memref<520x128xf32, #tpu.memory_space<hbm>>
        %dma_wait3A_37 = arith.constant 0 : i32
        %dma_wait3A_38 = tpu.memref_slice %arg6[%multiple_of3A_14, %dma_wait3A_37] : memref<10000x128xf32, #tpu.memory_space<vmem_shared>> -> memref<520x128xf32, #tpu.memory_space<vmem_shared>>
        tpu.wait_dma2 semaphore(%run_scoped3A : memref<!tpu.dma_semaphore, #tpu.memory_space<semaphore_mem>>) src(%dma_wait3A_38 : memref<520x128xf32, #tpu.memory_space<vmem_shared>>) dst(%dma_wait3A_36 : memref<520x128xf32, #tpu.memory_space<hbm>>)
        tpu.yield
      }) : () -> ()
    } else {
    }
    return
  }
}

#map = affine_map<(d0, d1) -> (0, 0)>
#map1 = affine_map<(d0, d1) -> (0, 0, 0, 0, 0)>
#map2 = affine_map<(d0, d1) -> (0, 0, 0)>
module attributes {stable_mosaic.version = 14 : i64} {
  func.func @_agg_kernel(%arg0: i32, %arg1: i32, %arg2: memref<10000x128xf32, #tpu.memory_space<hbm>>, %arg3: memref<2x16x5x25x80xi32, #tpu.memory_space<hbm>>, %arg4: memref<2x16x5x25x80xi32, #tpu.memory_space<hbm>>, %arg5: memref<632x128xf32, #tpu.memory_space<hbm>>, %arg6: memref<2x10000x128xf32, #tpu.memory_space<hbm>>, %arg7: memref<10000x128xf32, #tpu.memory_space<vmem_shared>>, %arg8: memref<25x80xi32, #tpu.memory_space<vmem>>, %arg9: memref<25x80xi32, #tpu.memory_space<vmem>>, %arg10: memref<4x80x128xf32, #tpu.memory_space<vmem>>, %arg11: memref<!tpu.dma_semaphore, #tpu.memory_space<semaphore_mem>>) attributes {dimension_semantics = [#tpu.dimension_semantics<core_parallel>, #tpu.dimension_semantics<subcore_parallel>], iteration_bounds = array<i64: 2, 16>, scalar_prefetch = 0 : i64, scratch_operands = 5 : i64, tpu.core_type = #tpu.core_type<sc_vector_subcore>, window_params = [{transform_indices = #map}, {transform_indices = #map1}, {transform_indices = #map1}, {transform_indices = #map}, {transform_indices = #map2}]} {
    %mul3A = arith.constant 632 : i32
    %mul3A_0 = arith.muli %arg1, %mul3A : i32
    %multiple_of3A = tpu.assume_multiple %mul3A_0, 8 : i32
    %lt3A = arith.constant 15 : i32
    %lt3A_1 = arith.cmpi slt, %arg1, %lt3A : i32
    %convert_element_type3A = arith.extui %lt3A_1 : i1 to i32
    %cond3A = arith.constant 0 : i32
    %cond3A_2 = arith.cmpi ne, %convert_element_type3A, %cond3A : i32
    scf.if %cond3A_2 {
      "tpu.region"() ({
        %run_scoped3A = tpu.sem_alloc : memref<!tpu.dma_semaphore, #tpu.memory_space<semaphore_mem>>
        %dma_start3A = arith.constant 0 : i32
        %dma_start3A_25 = tpu.memref_slice %arg7[%multiple_of3A, %dma_start3A] : memref<10000x128xf32, #tpu.memory_space<vmem_shared>> -> memref<632x128xf32, #tpu.memory_space<vmem_shared>>
        %dma_start3A_26 = arith.constant 0 : i32
        %dma_start3A_27 = arith.constant 0 : i32
        %dma_start3A_28 = tpu.memref_slice %arg5[%dma_start3A_26, %dma_start3A_27] : memref<632x128xf32, #tpu.memory_space<hbm>> -> memref<632x128xf32, #tpu.memory_space<hbm>>
        tpu.enqueue_dma source(%dma_start3A_28 : memref<632x128xf32, #tpu.memory_space<hbm>>) target(%dma_start3A_25 : memref<632x128xf32, #tpu.memory_space<vmem_shared>>) target_semaphore(%run_scoped3A : memref<!tpu.dma_semaphore, #tpu.memory_space<semaphore_mem>>)
        %dma_wait3A = arith.constant 0 : i32
        %dma_wait3A_29 = tpu.memref_slice %arg7[%multiple_of3A, %dma_wait3A] : memref<10000x128xf32, #tpu.memory_space<vmem_shared>> -> memref<632x128xf32, #tpu.memory_space<vmem_shared>>
        %dma_wait3A_30 = arith.constant 0 : i32
        %dma_wait3A_31 = arith.constant 0 : i32
        %dma_wait3A_32 = tpu.memref_slice %arg5[%dma_wait3A_30, %dma_wait3A_31] : memref<632x128xf32, #tpu.memory_space<hbm>> -> memref<632x128xf32, #tpu.memory_space<hbm>>
        tpu.wait_dma2 semaphore(%run_scoped3A : memref<!tpu.dma_semaphore, #tpu.memory_space<semaphore_mem>>) src(%dma_wait3A_32 : memref<632x128xf32, #tpu.memory_space<hbm>>) dst(%dma_wait3A_29 : memref<632x128xf32, #tpu.memory_space<vmem_shared>>)
        tpu.yield
      }) : () -> ()
    } else {
    }
    %eq3A = arith.constant 15 : i32
    %eq3A_3 = arith.cmpi eq, %arg1, %eq3A : i32
    %convert_element_type3A_4 = arith.extui %eq3A_3 : i1 to i32
    %cond3A_5 = arith.constant 0 : i32
    %cond3A_6 = arith.cmpi ne, %convert_element_type3A_4, %cond3A_5 : i32
    scf.if %cond3A_6 {
      "tpu.region"() ({
        %run_scoped3A = tpu.sem_alloc : memref<!tpu.dma_semaphore, #tpu.memory_space<semaphore_mem>>
        %dma_start3A = arith.constant 0 : i32
        %dma_start3A_25 = tpu.memref_slice %arg7[%multiple_of3A, %dma_start3A] : memref<10000x128xf32, #tpu.memory_space<vmem_shared>> -> memref<520x128xf32, #tpu.memory_space<vmem_shared>>
        %dma_start3A_26 = arith.constant 0 : i32
        %dma_start3A_27 = arith.constant 0 : i32
        %dma_start3A_28 = tpu.memref_slice %arg5[%dma_start3A_26, %dma_start3A_27] : memref<632x128xf32, #tpu.memory_space<hbm>> -> memref<520x128xf32, #tpu.memory_space<hbm>>
        tpu.enqueue_dma source(%dma_start3A_28 : memref<520x128xf32, #tpu.memory_space<hbm>>) target(%dma_start3A_25 : memref<520x128xf32, #tpu.memory_space<vmem_shared>>) target_semaphore(%run_scoped3A : memref<!tpu.dma_semaphore, #tpu.memory_space<semaphore_mem>>)
        %dma_wait3A = arith.constant 0 : i32
        %dma_wait3A_29 = tpu.memref_slice %arg7[%multiple_of3A, %dma_wait3A] : memref<10000x128xf32, #tpu.memory_space<vmem_shared>> -> memref<520x128xf32, #tpu.memory_space<vmem_shared>>
        %dma_wait3A_30 = arith.constant 0 : i32
        %dma_wait3A_31 = arith.constant 0 : i32
        %dma_wait3A_32 = tpu.memref_slice %arg5[%dma_wait3A_30, %dma_wait3A_31] : memref<632x128xf32, #tpu.memory_space<hbm>> -> memref<520x128xf32, #tpu.memory_space<hbm>>
        tpu.wait_dma2 semaphore(%run_scoped3A : memref<!tpu.dma_semaphore, #tpu.memory_space<semaphore_mem>>) src(%dma_wait3A_32 : memref<520x128xf32, #tpu.memory_space<hbm>>) dst(%dma_wait3A_29 : memref<520x128xf32, #tpu.memory_space<vmem_shared>>)
        tpu.yield
      }) : () -> ()
    } else {
    }
    %barrier3A = arith.constant 0 : index
    tpu.barrier barrier_id(%barrier3A)
    %scan3A = arith.constant 0 : i32
    %scan3A_7 = arith.constant 5 : i32
    %scan3A_8 = arith.addi %scan3A, %scan3A_7 : i32
    %scan3A_9 = arith.constant 1 : i32
    scf.for %scan3A_25 = %scan3A to %scan3A_8 step %scan3A_9  : i32 {
      %mul3A_26 = arith.constant 1 : i32
      %mul3A_27 = arith.muli %scan3A_25, %mul3A_26 : i32
      %add3A = arith.constant 0 : i32
      %add3A_28 = arith.addi %add3A, %mul3A_27 : i32
      "tpu.region"() ({
        %run_scoped3A = tpu.sem_alloc : memref<!tpu.dma_semaphore, #tpu.memory_space<semaphore_mem>>
        %dma_start3A_69 = arith.constant 0 : i32
        %dma_start3A_70 = arith.constant 0 : i32
        %dma_start3A_71 = arith.constant 0 : i32
        %dma_start3A_72 = arith.constant 0 : i32
        %dma_start3A_73 = tpu.memref_slice %arg3[%arg0, %dma_start3A_69, %dma_start3A_70, %dma_start3A_71, %dma_start3A_72] : memref<2x16x5x25x80xi32, #tpu.memory_space<hbm>> -> memref<1x16x5x25x80xi32, #tpu.memory_space<hbm>>
        %dma_start3A_74 = tpu.memref_squeeze %dma_start3A_73 : memref<1x16x5x25x80xi32, #tpu.memory_space<hbm>> -> memref<16x5x25x80xi32, #tpu.memory_space<hbm>>
        %dma_start3A_75 = arith.constant 0 : i32
        %dma_start3A_76 = arith.constant 0 : i32
        %dma_start3A_77 = arith.constant 0 : i32
        %dma_start3A_78 = tpu.memref_slice %dma_start3A_74[%arg1, %dma_start3A_75, %dma_start3A_76, %dma_start3A_77] : memref<16x5x25x80xi32, #tpu.memory_space<hbm>> -> memref<1x5x25x80xi32, #tpu.memory_space<hbm>>
        %dma_start3A_79 = tpu.memref_squeeze %dma_start3A_78 : memref<1x5x25x80xi32, #tpu.memory_space<hbm>> -> memref<5x25x80xi32, #tpu.memory_space<hbm>>
        %dma_start3A_80 = arith.constant 0 : i32
        %dma_start3A_81 = arith.constant 0 : i32
        %dma_start3A_82 = tpu.memref_slice %dma_start3A_79[%add3A_28, %dma_start3A_80, %dma_start3A_81] : memref<5x25x80xi32, #tpu.memory_space<hbm>> -> memref<1x25x80xi32, #tpu.memory_space<hbm>>
        %dma_start3A_83 = tpu.memref_squeeze %dma_start3A_82 : memref<1x25x80xi32, #tpu.memory_space<hbm>> -> memref<25x80xi32, #tpu.memory_space<hbm>>
        %dma_start3A_84 = arith.constant 0 : i32
        %dma_start3A_85 = arith.constant 0 : i32
        %dma_start3A_86 = arith.constant 0 : i32
        %dma_start3A_87 = arith.constant 0 : i32
        %dma_start3A_88 = tpu.memref_slice %arg3[%arg0, %dma_start3A_84, %dma_start3A_85, %dma_start3A_86, %dma_start3A_87] : memref<2x16x5x25x80xi32, #tpu.memory_space<hbm>> -> memref<1x16x5x25x80xi32, #tpu.memory_space<hbm>>
        %dma_start3A_89 = tpu.memref_squeeze %dma_start3A_88 : memref<1x16x5x25x80xi32, #tpu.memory_space<hbm>> -> memref<16x5x25x80xi32, #tpu.memory_space<hbm>>
        %dma_start3A_90 = arith.constant 0 : i32
        %dma_start3A_91 = arith.constant 0 : i32
        %dma_start3A_92 = arith.constant 0 : i32
        %dma_start3A_93 = tpu.memref_slice %dma_start3A_89[%arg1, %dma_start3A_90, %dma_start3A_91, %dma_start3A_92] : memref<16x5x25x80xi32, #tpu.memory_space<hbm>> -> memref<1x5x25x80xi32, #tpu.memory_space<hbm>>
        %dma_start3A_94 = tpu.memref_squeeze %dma_start3A_93 : memref<1x5x25x80xi32, #tpu.memory_space<hbm>> -> memref<5x25x80xi32, #tpu.memory_space<hbm>>
        %dma_start3A_95 = arith.constant 0 : i32
        %dma_start3A_96 = arith.constant 0 : i32
        %dma_start3A_97 = tpu.memref_slice %dma_start3A_94[%add3A_28, %dma_start3A_95, %dma_start3A_96] : memref<5x25x80xi32, #tpu.memory_space<hbm>> -> memref<1x25x80xi32, #tpu.memory_space<hbm>>
        %dma_start3A_98 = tpu.memref_squeeze %dma_start3A_97 : memref<1x25x80xi32, #tpu.memory_space<hbm>> -> memref<25x80xi32, #tpu.memory_space<hbm>>
        tpu.enqueue_dma source(%dma_start3A_98 : memref<25x80xi32, #tpu.memory_space<hbm>>) target(%arg8 : memref<25x80xi32, #tpu.memory_space<vmem>>) target_semaphore(%run_scoped3A : memref<!tpu.dma_semaphore, #tpu.memory_space<semaphore_mem>>)
        %dma_wait3A = arith.constant 0 : i32
        %dma_wait3A_99 = arith.constant 0 : i32
        %dma_wait3A_100 = arith.constant 0 : i32
        %dma_wait3A_101 = arith.constant 0 : i32
        %dma_wait3A_102 = tpu.memref_slice %arg3[%arg0, %dma_wait3A, %dma_wait3A_99, %dma_wait3A_100, %dma_wait3A_101] : memref<2x16x5x25x80xi32, #tpu.memory_space<hbm>> -> memref<1x16x5x25x80xi32, #tpu.memory_space<hbm>>
        %dma_wait3A_103 = tpu.memref_squeeze %dma_wait3A_102 : memref<1x16x5x25x80xi32, #tpu.memory_space<hbm>> -> memref<16x5x25x80xi32, #tpu.memory_space<hbm>>
        %dma_wait3A_104 = arith.constant 0 : i32
        %dma_wait3A_105 = arith.constant 0 : i32
        %dma_wait3A_106 = arith.constant 0 : i32
        %dma_wait3A_107 = tpu.memref_slice %dma_wait3A_103[%arg1, %dma_wait3A_104, %dma_wait3A_105, %dma_wait3A_106] : memref<16x5x25x80xi32, #tpu.memory_space<hbm>> -> memref<1x5x25x80xi32, #tpu.memory_space<hbm>>
        %dma_wait3A_108 = tpu.memref_squeeze %dma_wait3A_107 : memref<1x5x25x80xi32, #tpu.memory_space<hbm>> -> memref<5x25x80xi32, #tpu.memory_space<hbm>>
        %dma_wait3A_109 = arith.constant 0 : i32
        %dma_wait3A_110 = arith.constant 0 : i32
        %dma_wait3A_111 = tpu.memref_slice %dma_wait3A_108[%add3A_28, %dma_wait3A_109, %dma_wait3A_110] : memref<5x25x80xi32, #tpu.memory_space<hbm>> -> memref<1x25x80xi32, #tpu.memory_space<hbm>>
        %dma_wait3A_112 = tpu.memref_squeeze %dma_wait3A_111 : memref<1x25x80xi32, #tpu.memory_space<hbm>> -> memref<25x80xi32, #tpu.memory_space<hbm>>
        %dma_wait3A_113 = arith.constant 0 : i32
        %dma_wait3A_114 = arith.constant 0 : i32
        %dma_wait3A_115 = arith.constant 0 : i32
        %dma_wait3A_116 = arith.constant 0 : i32
        %dma_wait3A_117 = tpu.memref_slice %arg3[%arg0, %dma_wait3A_113, %dma_wait3A_114, %dma_wait3A_115, %dma_wait3A_116] : memref<2x16x5x25x80xi32, #tpu.memory_space<hbm>> -> memref<1x16x5x25x80xi32, #tpu.memory_space<hbm>>
        %dma_wait3A_118 = tpu.memref_squeeze %dma_wait3A_117 : memref<1x16x5x25x80xi32, #tpu.memory_space<hbm>> -> memref<16x5x25x80xi32, #tpu.memory_space<hbm>>
        %dma_wait3A_119 = arith.constant 0 : i32
        %dma_wait3A_120 = arith.constant 0 : i32
        %dma_wait3A_121 = arith.constant 0 : i32
        %dma_wait3A_122 = tpu.memref_slice %dma_wait3A_118[%arg1, %dma_wait3A_119, %dma_wait3A_120, %dma_wait3A_121] : memref<16x5x25x80xi32, #tpu.memory_space<hbm>> -> memref<1x5x25x80xi32, #tpu.memory_space<hbm>>
        %dma_wait3A_123 = tpu.memref_squeeze %dma_wait3A_122 : memref<1x5x25x80xi32, #tpu.memory_space<hbm>> -> memref<5x25x80xi32, #tpu.memory_space<hbm>>
        %dma_wait3A_124 = arith.constant 0 : i32
        %dma_wait3A_125 = arith.constant 0 : i32
        %dma_wait3A_126 = tpu.memref_slice %dma_wait3A_123[%add3A_28, %dma_wait3A_124, %dma_wait3A_125] : memref<5x25x80xi32, #tpu.memory_space<hbm>> -> memref<1x25x80xi32, #tpu.memory_space<hbm>>
        %dma_wait3A_127 = tpu.memref_squeeze %dma_wait3A_126 : memref<1x25x80xi32, #tpu.memory_space<hbm>> -> memref<25x80xi32, #tpu.memory_space<hbm>>
        tpu.wait_dma2 semaphore(%run_scoped3A : memref<!tpu.dma_semaphore, #tpu.memory_space<semaphore_mem>>) src(%dma_wait3A_127 : memref<25x80xi32, #tpu.memory_space<hbm>>) dst(%arg8 : memref<25x80xi32, #tpu.memory_space<vmem>>)
        tpu.yield
      }) : () -> ()
      "tpu.region"() ({
        %run_scoped3A = tpu.sem_alloc : memref<!tpu.dma_semaphore, #tpu.memory_space<semaphore_mem>>
        %dma_start3A_69 = arith.constant 0 : i32
        %dma_start3A_70 = arith.constant 0 : i32
        %dma_start3A_71 = arith.constant 0 : i32
        %dma_start3A_72 = arith.constant 0 : i32
        %dma_start3A_73 = tpu.memref_slice %arg4[%arg0, %dma_start3A_69, %dma_start3A_70, %dma_start3A_71, %dma_start3A_72] : memref<2x16x5x25x80xi32, #tpu.memory_space<hbm>> -> memref<1x16x5x25x80xi32, #tpu.memory_space<hbm>>
        %dma_start3A_74 = tpu.memref_squeeze %dma_start3A_73 : memref<1x16x5x25x80xi32, #tpu.memory_space<hbm>> -> memref<16x5x25x80xi32, #tpu.memory_space<hbm>>
        %dma_start3A_75 = arith.constant 0 : i32
        %dma_start3A_76 = arith.constant 0 : i32
        %dma_start3A_77 = arith.constant 0 : i32
        %dma_start3A_78 = tpu.memref_slice %dma_start3A_74[%arg1, %dma_start3A_75, %dma_start3A_76, %dma_start3A_77] : memref<16x5x25x80xi32, #tpu.memory_space<hbm>> -> memref<1x5x25x80xi32, #tpu.memory_space<hbm>>
        %dma_start3A_79 = tpu.memref_squeeze %dma_start3A_78 : memref<1x5x25x80xi32, #tpu.memory_space<hbm>> -> memref<5x25x80xi32, #tpu.memory_space<hbm>>
        %dma_start3A_80 = arith.constant 0 : i32
        %dma_start3A_81 = arith.constant 0 : i32
        %dma_start3A_82 = tpu.memref_slice %dma_start3A_79[%add3A_28, %dma_start3A_80, %dma_start3A_81] : memref<5x25x80xi32, #tpu.memory_space<hbm>> -> memref<1x25x80xi32, #tpu.memory_space<hbm>>
        %dma_start3A_83 = tpu.memref_squeeze %dma_start3A_82 : memref<1x25x80xi32, #tpu.memory_space<hbm>> -> memref<25x80xi32, #tpu.memory_space<hbm>>
        %dma_start3A_84 = arith.constant 0 : i32
        %dma_start3A_85 = arith.constant 0 : i32
        %dma_start3A_86 = arith.constant 0 : i32
        %dma_start3A_87 = arith.constant 0 : i32
        %dma_start3A_88 = tpu.memref_slice %arg4[%arg0, %dma_start3A_84, %dma_start3A_85, %dma_start3A_86, %dma_start3A_87] : memref<2x16x5x25x80xi32, #tpu.memory_space<hbm>> -> memref<1x16x5x25x80xi32, #tpu.memory_space<hbm>>
        %dma_start3A_89 = tpu.memref_squeeze %dma_start3A_88 : memref<1x16x5x25x80xi32, #tpu.memory_space<hbm>> -> memref<16x5x25x80xi32, #tpu.memory_space<hbm>>
        %dma_start3A_90 = arith.constant 0 : i32
        %dma_start3A_91 = arith.constant 0 : i32
        %dma_start3A_92 = arith.constant 0 : i32
        %dma_start3A_93 = tpu.memref_slice %dma_start3A_89[%arg1, %dma_start3A_90, %dma_start3A_91, %dma_start3A_92] : memref<16x5x25x80xi32, #tpu.memory_space<hbm>> -> memref<1x5x25x80xi32, #tpu.memory_space<hbm>>
        %dma_start3A_94 = tpu.memref_squeeze %dma_start3A_93 : memref<1x5x25x80xi32, #tpu.memory_space<hbm>> -> memref<5x25x80xi32, #tpu.memory_space<hbm>>
        %dma_start3A_95 = arith.constant 0 : i32
        %dma_start3A_96 = arith.constant 0 : i32
        %dma_start3A_97 = tpu.memref_slice %dma_start3A_94[%add3A_28, %dma_start3A_95, %dma_start3A_96] : memref<5x25x80xi32, #tpu.memory_space<hbm>> -> memref<1x25x80xi32, #tpu.memory_space<hbm>>
        %dma_start3A_98 = tpu.memref_squeeze %dma_start3A_97 : memref<1x25x80xi32, #tpu.memory_space<hbm>> -> memref<25x80xi32, #tpu.memory_space<hbm>>
        tpu.enqueue_dma source(%dma_start3A_98 : memref<25x80xi32, #tpu.memory_space<hbm>>) target(%arg9 : memref<25x80xi32, #tpu.memory_space<vmem>>) target_semaphore(%run_scoped3A : memref<!tpu.dma_semaphore, #tpu.memory_space<semaphore_mem>>)
        %dma_wait3A = arith.constant 0 : i32
        %dma_wait3A_99 = arith.constant 0 : i32
        %dma_wait3A_100 = arith.constant 0 : i32
        %dma_wait3A_101 = arith.constant 0 : i32
        %dma_wait3A_102 = tpu.memref_slice %arg4[%arg0, %dma_wait3A, %dma_wait3A_99, %dma_wait3A_100, %dma_wait3A_101] : memref<2x16x5x25x80xi32, #tpu.memory_space<hbm>> -> memref<1x16x5x25x80xi32, #tpu.memory_space<hbm>>
        %dma_wait3A_103 = tpu.memref_squeeze %dma_wait3A_102 : memref<1x16x5x25x80xi32, #tpu.memory_space<hbm>> -> memref<16x5x25x80xi32, #tpu.memory_space<hbm>>
        %dma_wait3A_104 = arith.constant 0 : i32
        %dma_wait3A_105 = arith.constant 0 : i32
        %dma_wait3A_106 = arith.constant 0 : i32
        %dma_wait3A_107 = tpu.memref_slice %dma_wait3A_103[%arg1, %dma_wait3A_104, %dma_wait3A_105, %dma_wait3A_106] : memref<16x5x25x80xi32, #tpu.memory_space<hbm>> -> memref<1x5x25x80xi32, #tpu.memory_space<hbm>>
        %dma_wait3A_108 = tpu.memref_squeeze %dma_wait3A_107 : memref<1x5x25x80xi32, #tpu.memory_space<hbm>> -> memref<5x25x80xi32, #tpu.memory_space<hbm>>
        %dma_wait3A_109 = arith.constant 0 : i32
        %dma_wait3A_110 = arith.constant 0 : i32
        %dma_wait3A_111 = tpu.memref_slice %dma_wait3A_108[%add3A_28, %dma_wait3A_109, %dma_wait3A_110] : memref<5x25x80xi32, #tpu.memory_space<hbm>> -> memref<1x25x80xi32, #tpu.memory_space<hbm>>
        %dma_wait3A_112 = tpu.memref_squeeze %dma_wait3A_111 : memref<1x25x80xi32, #tpu.memory_space<hbm>> -> memref<25x80xi32, #tpu.memory_space<hbm>>
        %dma_wait3A_113 = arith.constant 0 : i32
        %dma_wait3A_114 = arith.constant 0 : i32
        %dma_wait3A_115 = arith.constant 0 : i32
        %dma_wait3A_116 = arith.constant 0 : i32
        %dma_wait3A_117 = tpu.memref_slice %arg4[%arg0, %dma_wait3A_113, %dma_wait3A_114, %dma_wait3A_115, %dma_wait3A_116] : memref<2x16x5x25x80xi32, #tpu.memory_space<hbm>> -> memref<1x16x5x25x80xi32, #tpu.memory_space<hbm>>
        %dma_wait3A_118 = tpu.memref_squeeze %dma_wait3A_117 : memref<1x16x5x25x80xi32, #tpu.memory_space<hbm>> -> memref<16x5x25x80xi32, #tpu.memory_space<hbm>>
        %dma_wait3A_119 = arith.constant 0 : i32
        %dma_wait3A_120 = arith.constant 0 : i32
        %dma_wait3A_121 = arith.constant 0 : i32
        %dma_wait3A_122 = tpu.memref_slice %dma_wait3A_118[%arg1, %dma_wait3A_119, %dma_wait3A_120, %dma_wait3A_121] : memref<16x5x25x80xi32, #tpu.memory_space<hbm>> -> memref<1x5x25x80xi32, #tpu.memory_space<hbm>>
        %dma_wait3A_123 = tpu.memref_squeeze %dma_wait3A_122 : memref<1x5x25x80xi32, #tpu.memory_space<hbm>> -> memref<5x25x80xi32, #tpu.memory_space<hbm>>
        %dma_wait3A_124 = arith.constant 0 : i32
        %dma_wait3A_125 = arith.constant 0 : i32
        %dma_wait3A_126 = tpu.memref_slice %dma_wait3A_123[%add3A_28, %dma_wait3A_124, %dma_wait3A_125] : memref<5x25x80xi32, #tpu.memory_space<hbm>> -> memref<1x25x80xi32, #tpu.memory_space<hbm>>
        %dma_wait3A_127 = tpu.memref_squeeze %dma_wait3A_126 : memref<1x25x80xi32, #tpu.memory_space<hbm>> -> memref<25x80xi32, #tpu.memory_space<hbm>>
        tpu.wait_dma2 semaphore(%run_scoped3A : memref<!tpu.dma_semaphore, #tpu.memory_space<semaphore_mem>>) src(%dma_wait3A_127 : memref<25x80xi32, #tpu.memory_space<hbm>>) dst(%arg9 : memref<25x80xi32, #tpu.memory_space<vmem>>)
        tpu.yield
      }) : () -> ()
      %dma_start3A = arith.constant 0 : i32
      %dma_start3A_29 = arith.constant 0 : i32
      %dma_start3A_30 = arith.constant 0 : i32
      %dma_start3A_31 = arith.constant 0 : i32
      %dma_start3A_32 = tpu.memref_slice %arg10[%dma_start3A_29, %dma_start3A_30, %dma_start3A_31] : memref<4x80x128xf32, #tpu.memory_space<vmem>> -> memref<1x80x128xf32, #tpu.memory_space<vmem>>
      %dma_start3A_33 = tpu.memref_squeeze %dma_start3A_32 : memref<1x80x128xf32, #tpu.memory_space<vmem>> -> memref<80x128xf32, #tpu.memory_space<vmem>>
      %dma_start3A_34 = arith.constant 0 : i32
      %dma_start3A_35 = tpu.memref_slice %arg8[%dma_start3A, %dma_start3A_34] : memref<25x80xi32, #tpu.memory_space<vmem>> -> memref<1x80xi32, #tpu.memory_space<vmem>>
      %dma_start3A_36 = tpu.memref_squeeze %dma_start3A_35 : memref<1x80xi32, #tpu.memory_space<vmem>> -> memref<80xi32, #tpu.memory_space<vmem>>
      %dma_start3A_37 = arith.constant 0 : i32
      %dma_start3A_38 = arith.constant 0 : i32
      %dma_start3A_39 = tpu.memref_slice %arg2[%dma_start3A_37, %dma_start3A_38] : memref<10000x128xf32, #tpu.memory_space<hbm>> -> memref<10000x128xf32, #tpu.memory_space<hbm>>
      tpu.enqueue_indirect_dma source(%dma_start3A_39 : memref<10000x128xf32, #tpu.memory_space<hbm>>) target(%dma_start3A_33 : memref<80x128xf32, #tpu.memory_space<vmem>>) offsets(%dma_start3A_36 : memref<80xi32, #tpu.memory_space<vmem>>) semaphore(%arg11 : memref<!tpu.dma_semaphore, #tpu.memory_space<semaphore_mem>>)
      %dma_start3A_40 = arith.constant 1 : i32
      %dma_start3A_41 = arith.constant 1 : i32
      %dma_start3A_42 = arith.constant 0 : i32
      %dma_start3A_43 = arith.constant 0 : i32
      %dma_start3A_44 = tpu.memref_slice %arg10[%dma_start3A_41, %dma_start3A_42, %dma_start3A_43] : memref<4x80x128xf32, #tpu.memory_space<vmem>> -> memref<1x80x128xf32, #tpu.memory_space<vmem>>
      %dma_start3A_45 = tpu.memref_squeeze %dma_start3A_44 : memref<1x80x128xf32, #tpu.memory_space<vmem>> -> memref<80x128xf32, #tpu.memory_space<vmem>>
      %dma_start3A_46 = arith.constant 0 : i32
      %dma_start3A_47 = tpu.memref_slice %arg8[%dma_start3A_40, %dma_start3A_46] : memref<25x80xi32, #tpu.memory_space<vmem>> -> memref<1x80xi32, #tpu.memory_space<vmem>>
      %dma_start3A_48 = tpu.memref_squeeze %dma_start3A_47 : memref<1x80xi32, #tpu.memory_space<vmem>> -> memref<80xi32, #tpu.memory_space<vmem>>
      %dma_start3A_49 = arith.constant 0 : i32
      %dma_start3A_50 = arith.constant 0 : i32
      %dma_start3A_51 = tpu.memref_slice %arg2[%dma_start3A_49, %dma_start3A_50] : memref<10000x128xf32, #tpu.memory_space<hbm>> -> memref<10000x128xf32, #tpu.memory_space<hbm>>
      tpu.enqueue_indirect_dma source(%dma_start3A_51 : memref<10000x128xf32, #tpu.memory_space<hbm>>) target(%dma_start3A_45 : memref<80x128xf32, #tpu.memory_space<vmem>>) offsets(%dma_start3A_48 : memref<80xi32, #tpu.memory_space<vmem>>) semaphore(%arg11 : memref<!tpu.dma_semaphore, #tpu.memory_space<semaphore_mem>>)
      %dma_start3A_52 = arith.constant 2 : i32
      %dma_start3A_53 = arith.constant 2 : i32
      %dma_start3A_54 = arith.constant 0 : i32
      %dma_start3A_55 = arith.constant 0 : i32
      %dma_start3A_56 = tpu.memref_slice %arg10[%dma_start3A_53, %dma_start3A_54, %dma_start3A_55] : memref<4x80x128xf32, #tpu.memory_space<vmem>> -> memref<1x80x128xf32, #tpu.memory_space<vmem>>
      %dma_start3A_57 = tpu.memref_squeeze %dma_start3A_56 : memref<1x80x128xf32, #tpu.memory_space<vmem>> -> memref<80x128xf32, #tpu.memory_space<vmem>>
      %dma_start3A_58 = arith.constant 0 : i32
      %dma_start3A_59 = tpu.memref_slice %arg8[%dma_start3A_52, %dma_start3A_58] : memref<25x80xi32, #tpu.memory_space<vmem>> -> memref<1x80xi32, #tpu.memory_space<vmem>>
      %dma_start3A_60 = tpu.memref_squeeze %dma_start3A_59 : memref<1x80xi32, #tpu.memory_space<vmem>> -> memref<80xi32, #tpu.memory_space<vmem>>
      %dma_start3A_61 = arith.constant 0 : i32
      %dma_start3A_62 = arith.constant 0 : i32
      %dma_start3A_63 = tpu.memref_slice %arg2[%dma_start3A_61, %dma_start3A_62] : memref<10000x128xf32, #tpu.memory_space<hbm>> -> memref<10000x128xf32, #tpu.memory_space<hbm>>
      tpu.enqueue_indirect_dma source(%dma_start3A_63 : memref<10000x128xf32, #tpu.memory_space<hbm>>) target(%dma_start3A_57 : memref<80x128xf32, #tpu.memory_space<vmem>>) offsets(%dma_start3A_60 : memref<80xi32, #tpu.memory_space<vmem>>) semaphore(%arg11 : memref<!tpu.dma_semaphore, #tpu.memory_space<semaphore_mem>>)
      %scan3A_64 = arith.constant 0 : i32
      %scan3A_65 = arith.constant 25 : i32
      %scan3A_66 = arith.addi %scan3A_64, %scan3A_65 : i32
      %scan3A_67 = arith.constant 1 : i32
      scf.for %scan3A_69 = %scan3A_64 to %scan3A_66 step %scan3A_67  : i32 {
        %mul3A_70 = arith.constant 1 : i32
        %mul3A_71 = arith.muli %scan3A_69, %mul3A_70 : i32
        %add3A_72 = arith.constant 0 : i32
        %add3A_73 = arith.addi %add3A_72, %mul3A_71 : i32
        %rem3A = arith.constant 4 : i32
        %rem3A_74 = arith.remsi %add3A_73, %rem3A : i32
        %dma_wait3A = arith.constant 0 : i32
        %dma_wait3A_75 = arith.constant 0 : i32
        %dma_wait3A_76 = tpu.memref_slice %arg10[%rem3A_74, %dma_wait3A, %dma_wait3A_75] : memref<4x80x128xf32, #tpu.memory_space<vmem>> -> memref<1x80x128xf32, #tpu.memory_space<vmem>>
        %dma_wait3A_77 = tpu.memref_squeeze %dma_wait3A_76 : memref<1x80x128xf32, #tpu.memory_space<vmem>> -> memref<80x128xf32, #tpu.memory_space<vmem>>
        %dma_wait3A_78 = arith.constant 0 : i32
        %dma_wait3A_79 = tpu.memref_slice %arg8[%add3A_73, %dma_wait3A_78] : memref<25x80xi32, #tpu.memory_space<vmem>> -> memref<1x80xi32, #tpu.memory_space<vmem>>
        %dma_wait3A_80 = tpu.memref_squeeze %dma_wait3A_79 : memref<1x80xi32, #tpu.memory_space<vmem>> -> memref<80xi32, #tpu.memory_space<vmem>>
        %dma_wait3A_81 = arith.constant 0 : i32
        %dma_wait3A_82 = arith.constant 0 : i32
        %dma_wait3A_83 = tpu.memref_slice %arg2[%dma_wait3A_81, %dma_wait3A_82] : memref<10000x128xf32, #tpu.memory_space<hbm>> -> memref<10000x128xf32, #tpu.memory_space<hbm>>
        tpu.wait_indirect_dma semaphore(%arg11 : memref<!tpu.dma_semaphore, #tpu.memory_space<semaphore_mem>>) src(%dma_wait3A_83 : memref<10000x128xf32, #tpu.memory_space<hbm>>) dst(%dma_wait3A_77 : memref<80x128xf32, #tpu.memory_space<vmem>>)
        %lt3A_84 = arith.constant 22 : i32
        %lt3A_85 = arith.cmpi slt, %add3A_73, %lt3A_84 : i32
        %convert_element_type3A_86 = arith.extui %lt3A_85 : i1 to i32
        %cond3A_87 = arith.constant 0 : i32
        %cond3A_88 = arith.cmpi ne, %convert_element_type3A_86, %cond3A_87 : i32
        scf.if %cond3A_88 {
          %add3A_89 = arith.constant 3 : i32
          %add3A_90 = arith.addi %add3A_73, %add3A_89 : i32
          %add3A_91 = arith.constant 3 : i32
          %add3A_92 = arith.addi %add3A_73, %add3A_91 : i32
          %rem3A_93 = arith.constant 4 : i32
          %rem3A_94 = arith.remsi %add3A_92, %rem3A_93 : i32
          %dma_start3A_95 = arith.constant 0 : i32
          %dma_start3A_96 = arith.constant 0 : i32
          %dma_start3A_97 = tpu.memref_slice %arg10[%rem3A_94, %dma_start3A_95, %dma_start3A_96] : memref<4x80x128xf32, #tpu.memory_space<vmem>> -> memref<1x80x128xf32, #tpu.memory_space<vmem>>
          %dma_start3A_98 = tpu.memref_squeeze %dma_start3A_97 : memref<1x80x128xf32, #tpu.memory_space<vmem>> -> memref<80x128xf32, #tpu.memory_space<vmem>>
          %dma_start3A_99 = arith.constant 0 : i32
          %dma_start3A_100 = tpu.memref_slice %arg8[%add3A_90, %dma_start3A_99] : memref<25x80xi32, #tpu.memory_space<vmem>> -> memref<1x80xi32, #tpu.memory_space<vmem>>
          %dma_start3A_101 = tpu.memref_squeeze %dma_start3A_100 : memref<1x80xi32, #tpu.memory_space<vmem>> -> memref<80xi32, #tpu.memory_space<vmem>>
          %dma_start3A_102 = arith.constant 0 : i32
          %dma_start3A_103 = arith.constant 0 : i32
          %dma_start3A_104 = tpu.memref_slice %arg2[%dma_start3A_102, %dma_start3A_103] : memref<10000x128xf32, #tpu.memory_space<hbm>> -> memref<10000x128xf32, #tpu.memory_space<hbm>>
          tpu.enqueue_indirect_dma source(%dma_start3A_104 : memref<10000x128xf32, #tpu.memory_space<hbm>>) target(%dma_start3A_98 : memref<80x128xf32, #tpu.memory_space<vmem>>) offsets(%dma_start3A_101 : memref<80xi32, #tpu.memory_space<vmem>>) semaphore(%arg11 : memref<!tpu.dma_semaphore, #tpu.memory_space<semaphore_mem>>)
        } else {
        }
        "tpu.region"() ({
          %run_scoped3A = tpu.sem_alloc : memref<!tpu.dma_semaphore, #tpu.memory_space<semaphore_mem>>
          %dma_start3A_89 = arith.constant 0 : i32
          %dma_start3A_90 = arith.constant 0 : i32
          %dma_start3A_91 = tpu.memref_slice %arg10[%rem3A_74, %dma_start3A_89, %dma_start3A_90] : memref<4x80x128xf32, #tpu.memory_space<vmem>> -> memref<1x80x128xf32, #tpu.memory_space<vmem>>
          %dma_start3A_92 = tpu.memref_squeeze %dma_start3A_91 : memref<1x80x128xf32, #tpu.memory_space<vmem>> -> memref<80x128xf32, #tpu.memory_space<vmem>>
          %dma_start3A_93 = arith.constant 0 : i32
          %dma_start3A_94 = tpu.memref_slice %arg9[%add3A_73, %dma_start3A_93] : memref<25x80xi32, #tpu.memory_space<vmem>> -> memref<1x80xi32, #tpu.memory_space<vmem>>
          %dma_start3A_95 = tpu.memref_squeeze %dma_start3A_94 : memref<1x80xi32, #tpu.memory_space<vmem>> -> memref<80xi32, #tpu.memory_space<vmem>>
          %dma_start3A_96 = arith.constant 0 : i32
          %dma_start3A_97 = arith.constant 0 : i32
          %dma_start3A_98 = tpu.memref_slice %arg7[%dma_start3A_96, %dma_start3A_97] : memref<10000x128xf32, #tpu.memory_space<vmem_shared>> -> memref<10000x128xf32, #tpu.memory_space<vmem_shared>>
          tpu.enqueue_indirect_dma source(%dma_start3A_92 : memref<80x128xf32, #tpu.memory_space<vmem>>) target(%dma_start3A_98 : memref<10000x128xf32, #tpu.memory_space<vmem_shared>>) offsets(%dma_start3A_95 : memref<80xi32, #tpu.memory_space<vmem>>) semaphore(%run_scoped3A : memref<!tpu.dma_semaphore, #tpu.memory_space<semaphore_mem>>) {add = true}
          %dma_wait3A_99 = arith.constant 0 : i32
          %dma_wait3A_100 = arith.constant 0 : i32
          %dma_wait3A_101 = tpu.memref_slice %arg10[%rem3A_74, %dma_wait3A_99, %dma_wait3A_100] : memref<4x80x128xf32, #tpu.memory_space<vmem>> -> memref<1x80x128xf32, #tpu.memory_space<vmem>>
          %dma_wait3A_102 = tpu.memref_squeeze %dma_wait3A_101 : memref<1x80x128xf32, #tpu.memory_space<vmem>> -> memref<80x128xf32, #tpu.memory_space<vmem>>
          %dma_wait3A_103 = arith.constant 0 : i32
          %dma_wait3A_104 = tpu.memref_slice %arg9[%add3A_73, %dma_wait3A_103] : memref<25x80xi32, #tpu.memory_space<vmem>> -> memref<1x80xi32, #tpu.memory_space<vmem>>
          %dma_wait3A_105 = tpu.memref_squeeze %dma_wait3A_104 : memref<1x80xi32, #tpu.memory_space<vmem>> -> memref<80xi32, #tpu.memory_space<vmem>>
          %dma_wait3A_106 = arith.constant 0 : i32
          %dma_wait3A_107 = arith.constant 0 : i32
          %dma_wait3A_108 = tpu.memref_slice %arg7[%dma_wait3A_106, %dma_wait3A_107] : memref<10000x128xf32, #tpu.memory_space<vmem_shared>> -> memref<10000x128xf32, #tpu.memory_space<vmem_shared>>
          tpu.wait_indirect_dma semaphore(%run_scoped3A : memref<!tpu.dma_semaphore, #tpu.memory_space<semaphore_mem>>) src(%dma_wait3A_102 : memref<80x128xf32, #tpu.memory_space<vmem>>) dst(%dma_wait3A_108 : memref<10000x128xf32, #tpu.memory_space<vmem_shared>>)
          tpu.yield
        }) : () -> ()
      }
      %scan3A_68 = arith.constant 25 : i32
    }
    %scan3A_10 = arith.constant 5 : i32
    %barrier3A_11 = arith.constant 0 : index
    tpu.barrier barrier_id(%barrier3A_11)
    %mul3A_12 = arith.constant 632 : i32
    %mul3A_13 = arith.muli %arg1, %mul3A_12 : i32
    %multiple_of3A_14 = tpu.assume_multiple %mul3A_13, 8 : i32
    %lt3A_15 = arith.constant 15 : i32
    %lt3A_16 = arith.cmpi slt, %arg1, %lt3A_15 : i32
    %convert_element_type3A_17 = arith.extui %lt3A_16 : i1 to i32
    %cond3A_18 = arith.constant 0 : i32
    %cond3A_19 = arith.cmpi ne, %convert_element_type3A_17, %cond3A_18 : i32
    scf.if %cond3A_19 {
      "tpu.region"() ({
        %run_scoped3A = tpu.sem_alloc : memref<!tpu.dma_semaphore, #tpu.memory_space<semaphore_mem>>
        %dma_start3A = arith.constant 0 : i32
        %dma_start3A_25 = arith.constant 0 : i32
        %dma_start3A_26 = tpu.memref_slice %arg6[%arg0, %dma_start3A, %dma_start3A_25] : memref<2x10000x128xf32, #tpu.memory_space<hbm>> -> memref<1x10000x128xf32, #tpu.memory_space<hbm>>
        %dma_start3A_27 = tpu.memref_squeeze %dma_start3A_26 : memref<1x10000x128xf32, #tpu.memory_space<hbm>> -> memref<10000x128xf32, #tpu.memory_space<hbm>>
        %dma_start3A_28 = arith.constant 0 : i32
        %dma_start3A_29 = tpu.memref_slice %dma_start3A_27[%multiple_of3A_14, %dma_start3A_28] : memref<10000x128xf32, #tpu.memory_space<hbm>> -> memref<632x128xf32, #tpu.memory_space<hbm>>
        %dma_start3A_30 = arith.constant 0 : i32
        %dma_start3A_31 = tpu.memref_slice %arg7[%multiple_of3A_14, %dma_start3A_30] : memref<10000x128xf32, #tpu.memory_space<vmem_shared>> -> memref<632x128xf32, #tpu.memory_space<vmem_shared>>
        tpu.enqueue_dma source(%dma_start3A_31 : memref<632x128xf32, #tpu.memory_space<vmem_shared>>) target(%dma_start3A_29 : memref<632x128xf32, #tpu.memory_space<hbm>>) target_semaphore(%run_scoped3A : memref<!tpu.dma_semaphore, #tpu.memory_space<semaphore_mem>>)
        %dma_wait3A = arith.constant 0 : i32
        %dma_wait3A_32 = arith.constant 0 : i32
        %dma_wait3A_33 = tpu.memref_slice %arg6[%arg0, %dma_wait3A, %dma_wait3A_32] : memref<2x10000x128xf32, #tpu.memory_space<hbm>> -> memref<1x10000x128xf32, #tpu.memory_space<hbm>>
        %dma_wait3A_34 = tpu.memref_squeeze %dma_wait3A_33 : memref<1x10000x128xf32, #tpu.memory_space<hbm>> -> memref<10000x128xf32, #tpu.memory_space<hbm>>
        %dma_wait3A_35 = arith.constant 0 : i32
        %dma_wait3A_36 = tpu.memref_slice %dma_wait3A_34[%multiple_of3A_14, %dma_wait3A_35] : memref<10000x128xf32, #tpu.memory_space<hbm>> -> memref<632x128xf32, #tpu.memory_space<hbm>>
        %dma_wait3A_37 = arith.constant 0 : i32
        %dma_wait3A_38 = tpu.memref_slice %arg7[%multiple_of3A_14, %dma_wait3A_37] : memref<10000x128xf32, #tpu.memory_space<vmem_shared>> -> memref<632x128xf32, #tpu.memory_space<vmem_shared>>
        tpu.wait_dma2 semaphore(%run_scoped3A : memref<!tpu.dma_semaphore, #tpu.memory_space<semaphore_mem>>) src(%dma_wait3A_38 : memref<632x128xf32, #tpu.memory_space<vmem_shared>>) dst(%dma_wait3A_36 : memref<632x128xf32, #tpu.memory_space<hbm>>)
        tpu.yield
      }) : () -> ()
    } else {
    }
    %eq3A_20 = arith.constant 15 : i32
    %eq3A_21 = arith.cmpi eq, %arg1, %eq3A_20 : i32
    %convert_element_type3A_22 = arith.extui %eq3A_21 : i1 to i32
    %cond3A_23 = arith.constant 0 : i32
    %cond3A_24 = arith.cmpi ne, %convert_element_type3A_22, %cond3A_23 : i32
    scf.if %cond3A_24 {
      "tpu.region"() ({
        %run_scoped3A = tpu.sem_alloc : memref<!tpu.dma_semaphore, #tpu.memory_space<semaphore_mem>>
        %dma_start3A = arith.constant 0 : i32
        %dma_start3A_25 = arith.constant 0 : i32
        %dma_start3A_26 = tpu.memref_slice %arg6[%arg0, %dma_start3A, %dma_start3A_25] : memref<2x10000x128xf32, #tpu.memory_space<hbm>> -> memref<1x10000x128xf32, #tpu.memory_space<hbm>>
        %dma_start3A_27 = tpu.memref_squeeze %dma_start3A_26 : memref<1x10000x128xf32, #tpu.memory_space<hbm>> -> memref<10000x128xf32, #tpu.memory_space<hbm>>
        %dma_start3A_28 = arith.constant 0 : i32
        %dma_start3A_29 = tpu.memref_slice %dma_start3A_27[%multiple_of3A_14, %dma_start3A_28] : memref<10000x128xf32, #tpu.memory_space<hbm>> -> memref<520x128xf32, #tpu.memory_space<hbm>>
        %dma_start3A_30 = arith.constant 0 : i32
        %dma_start3A_31 = tpu.memref_slice %arg7[%multiple_of3A_14, %dma_start3A_30] : memref<10000x128xf32, #tpu.memory_space<vmem_shared>> -> memref<520x128xf32, #tpu.memory_space<vmem_shared>>
        tpu.enqueue_dma source(%dma_start3A_31 : memref<520x128xf32, #tpu.memory_space<vmem_shared>>) target(%dma_start3A_29 : memref<520x128xf32, #tpu.memory_space<hbm>>) target_semaphore(%run_scoped3A : memref<!tpu.dma_semaphore, #tpu.memory_space<semaphore_mem>>)
        %dma_wait3A = arith.constant 0 : i32
        %dma_wait3A_32 = arith.constant 0 : i32
        %dma_wait3A_33 = tpu.memref_slice %arg6[%arg0, %dma_wait3A, %dma_wait3A_32] : memref<2x10000x128xf32, #tpu.memory_space<hbm>> -> memref<1x10000x128xf32, #tpu.memory_space<hbm>>
        %dma_wait3A_34 = tpu.memref_squeeze %dma_wait3A_33 : memref<1x10000x128xf32, #tpu.memory_space<hbm>> -> memref<10000x128xf32, #tpu.memory_space<hbm>>
        %dma_wait3A_35 = arith.constant 0 : i32
        %dma_wait3A_36 = tpu.memref_slice %dma_wait3A_34[%multiple_of3A_14, %dma_wait3A_35] : memref<10000x128xf32, #tpu.memory_space<hbm>> -> memref<520x128xf32, #tpu.memory_space<hbm>>
        %dma_wait3A_37 = arith.constant 0 : i32
        %dma_wait3A_38 = tpu.memref_slice %arg7[%multiple_of3A_14, %dma_wait3A_37] : memref<10000x128xf32, #tpu.memory_space<vmem_shared>> -> memref<520x128xf32, #tpu.memory_space<vmem_shared>>
        tpu.wait_dma2 semaphore(%run_scoped3A : memref<!tpu.dma_semaphore, #tpu.memory_space<semaphore_mem>>) src(%dma_wait3A_38 : memref<520x128xf32, #tpu.memory_space<vmem_shared>>) dst(%dma_wait3A_36 : memref<520x128xf32, #tpu.memory_space<hbm>>)
        tpu.yield
      }) : () -> ()
    } else {
    }
    return
  }
}

module attributes {stable_mosaic.version = 14 : i64} {
  func.func @_norm_body(%arg0: i32, %arg1: memref<2x1000x128xf32, #tpu.memory_space<vmem>>, %arg2: memref<1000x128xf32, #tpu.memory_space<vmem>>, %arg3: memref<1000x16xf32, #tpu.memory_space<vmem>>, %arg4: memref<1000x128xf32, #tpu.memory_space<vmem>>) attributes {dimension_semantics = [#tpu.dimension_semantics<arbitrary>], iteration_bounds = array<i64: 10>, scalar_prefetch = 0 : i64, scratch_operands = 0 : i64, tpu.core_type = #tpu.core_type<tc>, window_params = [{transform_indices = @transform_0, window_bounds = array<i64: 2, 1000, 128>}, {transform_indices = @transform_1, window_bounds = array<i64: 1000, 128>}, {transform_indices = @transform_2, window_bounds = array<i64: 1000, 16>}, {transform_indices = @transform_3, window_bounds = array<i64: 1000, 128>}]} {
    %get3A = arith.constant 0 : index
    %get3A_0 = arith.constant 0 : index
    %get3A_1 = arith.constant 0 : index
    %get3A_2 = vector.load %arg1[%get3A, %get3A_0, %get3A_1] : memref<2x1000x128xf32, #tpu.memory_space<vmem>>, vector<1x1000x1xf32>
    %get3A_3 = vector.shape_cast %get3A_2 : vector<1x1000x1xf32> to vector<1000x1xf32>
    %get3A_4 = arith.constant 1 : index
    %get3A_5 = arith.constant 0 : index
    %get3A_6 = arith.constant 0 : index
    %get3A_7 = vector.load %arg1[%get3A_4, %get3A_5, %get3A_6] : memref<2x1000x128xf32, #tpu.memory_space<vmem>>, vector<1x1000x1xf32>
    %get3A_8 = vector.shape_cast %get3A_7 : vector<1x1000x1xf32> to vector<1000x1xf32>
    %add3A = arith.addf %get3A_3, %get3A_8 : vector<1000x1xf32>
    %gt3A = arith.constant 0.000000e+00 : f32
    %gt3A_9 = vector.broadcast %gt3A : f32 to vector<1000x1xf32>
    %gt3A_10 = arith.cmpf ogt, %add3A, %gt3A_9 : vector<1000x1xf32>
    %max3A = arith.constant 1.000000e+00 : f32
    %max3A_11 = vector.broadcast %max3A : f32 to vector<1000x1xf32>
    %max3A_12 = arith.maximumf %add3A, %max3A_11 : vector<1000x1xf32>
    %rsqrt3A = math.rsqrt %max3A_12 : vector<1000x1xf32>
    %jit3A = arith.constant 0.000000e+00 : f32
    %broadcast_in_dim3A = vector.broadcast %jit3A : f32 to vector<1000x1xf32>
    %select_n3A = arith.select %gt3A_10, %rsqrt3A, %broadcast_in_dim3A : vector<1000x1xi1>, vector<1000x1xf32>
    %broadcast_in_dim3A_13 = vector.shape_cast %select_n3A : vector<1000x1xf32> to vector<1000x1xf32>
    %broadcast_in_dim3A_14 = vector.broadcast %broadcast_in_dim3A_13 : vector<1000x1xf32> to vector<1000x16xf32>
    %swap3A = arith.constant 0 : index
    %swap3A_15 = arith.constant 0 : index
    %swap3A_16 = vector.load %arg3[%swap3A, %swap3A_15] : memref<1000x16xf32, #tpu.memory_space<vmem>>, vector<1000x16xf32>
    tpu.vector_store %arg3[%swap3A, %swap3A_15], %broadcast_in_dim3A_14 {strides = array<i32>} : memref<1000x16xf32, #tpu.memory_space<vmem>>, vector<1000x16xf32>,
    %get3A_17 = arith.constant 0 : index
    %get3A_18 = arith.constant 0 : index
    %get3A_19 = vector.load %arg2[%get3A_17, %get3A_18] : memref<1000x128xf32, #tpu.memory_space<vmem>>, vector<1000x128xf32>
    %slice3A = vector.extract_strided_slice %get3A_19 {offsets = [0, 64], sizes = [1000, 64], strides = [1, 1]} : vector<1000x128xf32> to vector<1000x64xf32>
    %mul3A = vector.broadcast %select_n3A : vector<1000x1xf32> to vector<1000x64xf32>
    %mul3A_20 = arith.mulf %slice3A, %mul3A : vector<1000x64xf32>
    %broadcast_in_dim3A_21 = arith.constant 1.000000e+00 : f32
    %broadcast_in_dim3A_22 = vector.broadcast %broadcast_in_dim3A_21 : f32 to vector<1000x1xf32>
    %broadcast_in_dim3A_23 = arith.constant 0.000000e+00 : f32
    %broadcast_in_dim3A_24 = vector.broadcast %broadcast_in_dim3A_23 : f32 to vector<1000x63xf32>
    %concatenate3A = tpu.concatenate %broadcast_in_dim3A_22, %broadcast_in_dim3A_24 in 1 : vector<1000x1xf32>, vector<1000x63xf32> -> vector<1000x64xf32>
    %concatenate3A_25 = tpu.concatenate %mul3A_20, %concatenate3A in 1 : vector<1000x64xf32>, vector<1000x64xf32> -> vector<1000x128xf32>
    %swap3A_26 = arith.constant 0 : index
    %swap3A_27 = arith.constant 0 : index
    %swap3A_28 = vector.load %arg4[%swap3A_26, %swap3A_27] : memref<1000x128xf32, #tpu.memory_space<vmem>>, vector<1000x128xf32>
    tpu.vector_store %arg4[%swap3A_26, %swap3A_27], %concatenate3A_25 {strides = array<i32>} : memref<1000x128xf32, #tpu.memory_space<vmem>>, vector<1000x128xf32>,
    return
  }
  func.func @transform_0(%arg0: i32) -> (i32, i32, i32) {
    %c0_i32 = arith.constant 0 : i32
    %c0_i32_0 = arith.constant 0 : i32
    %c0_i32_1 = arith.constant 0 : i32
    return %c0_i32, %arg0, %c0_i32_0 : i32, i32, i32
  }
  func.func @transform_1(%arg0: i32) -> (i32, i32) {
    %c0_i32 = arith.constant 0 : i32
    %c0_i32_0 = arith.constant 0 : i32
    return %arg0, %c0_i32 : i32, i32
  }
  func.func @transform_2(%arg0: i32) -> (i32, i32) {
    %c0_i32 = arith.constant 0 : i32
    %c0_i32_0 = arith.constant 0 : i32
    return %arg0, %c0_i32 : i32, i32
  }
  func.func @transform_3(%arg0: i32) -> (i32, i32) {
    %c0_i32 = arith.constant 0 : i32
    %c0_i32_0 = arith.constant 0 : i32
    return %arg0, %c0_i32 : i32, i32
  }
}

module attributes {stable_mosaic.version = 14 : i64} {
  func.func @_lin1_body(%arg0: i32, %arg1: memref<1000x128xf32, #tpu.memory_space<vmem>>, %arg2: memref<2x1000x128xf32, #tpu.memory_space<vmem>>, %arg3: memref<1000x16xf32, #tpu.memory_space<vmem>>, %arg4: memref<64x64xf32, #tpu.memory_space<vmem>>, %arg5: memref<1x64xf32, #tpu.memory_space<vmem>>, %arg6: memref<1000x64xf32, #tpu.memory_space<vmem>>, %arg7: memref<1000x128xf32, #tpu.memory_space<vmem>>, %arg8: memref<1000x16xf32, #tpu.memory_space<vmem>>) attributes {dimension_semantics = [#tpu.dimension_semantics<arbitrary>], iteration_bounds = array<i64: 10>, scalar_prefetch = 0 : i64, scratch_operands = 0 : i64, tpu.core_type = #tpu.core_type<tc>, window_params = [{transform_indices = @transform_0, window_bounds = array<i64: 1000, 128>}, {transform_indices = @transform_1, window_bounds = array<i64: 2, 1000, 128>}, {transform_indices = @transform_2, window_bounds = array<i64: 1000, 16>}, {pipeline_mode = #tpu.pipeline_mode<synchronous>, transform_indices = @transform_3, window_bounds = array<i64: 64, 64>}, {pipeline_mode = #tpu.pipeline_mode<synchronous>, transform_indices = @transform_4, window_bounds = array<i64: 1, 64>}, {transform_indices = @transform_5, window_bounds = array<i64: 1000, 64>}, {transform_indices = @transform_6, window_bounds = array<i64: 1000, 128>}, {transform_indices = @transform_7, window_bounds = array<i64: 1000, 16>}]} {
    %get3A = arith.constant 0 : index
    %get3A_0 = arith.constant 0 : index
    %get3A_1 = arith.constant 64 : index
    %get3A_2 = vector.load %arg2[%get3A, %get3A_0, %get3A_1] : memref<2x1000x128xf32, #tpu.memory_space<vmem>>, vector<1x1000x1xf32>
    %get3A_3 = vector.shape_cast %get3A_2 : vector<1x1000x1xf32> to vector<1000x1xf32>
    %get3A_4 = arith.constant 1 : index
    %get3A_5 = arith.constant 0 : index
    %get3A_6 = arith.constant 64 : index
    %get3A_7 = vector.load %arg2[%get3A_4, %get3A_5, %get3A_6] : memref<2x1000x128xf32, #tpu.memory_space<vmem>>, vector<1x1000x1xf32>
    %get3A_8 = vector.shape_cast %get3A_7 : vector<1x1000x1xf32> to vector<1000x1xf32>
    %add3A = arith.addf %get3A_3, %get3A_8 : vector<1000x1xf32>
    %gt3A = arith.constant 0.000000e+00 : f32
    %gt3A_9 = vector.broadcast %gt3A : f32 to vector<1000x1xf32>
    %gt3A_10 = arith.cmpf ogt, %add3A, %gt3A_9 : vector<1000x1xf32>
    %max3A = arith.constant 1.000000e+00 : f32
    %max3A_11 = vector.broadcast %max3A : f32 to vector<1000x1xf32>
    %max3A_12 = arith.maximumf %add3A, %max3A_11 : vector<1000x1xf32>
    %rsqrt3A = math.rsqrt %max3A_12 : vector<1000x1xf32>
    %jit3A = arith.constant 0.000000e+00 : f32
    %broadcast_in_dim3A = vector.broadcast %jit3A : f32 to vector<1000x1xf32>
    %select_n3A = arith.select %gt3A_10, %rsqrt3A, %broadcast_in_dim3A : vector<1000x1xi1>, vector<1000x1xf32>
    %broadcast_in_dim3A_13 = vector.shape_cast %select_n3A : vector<1000x1xf32> to vector<1000x1xf32>
    %broadcast_in_dim3A_14 = vector.broadcast %broadcast_in_dim3A_13 : vector<1000x1xf32> to vector<1000x16xf32>
    %swap3A = arith.constant 0 : index
    %swap3A_15 = arith.constant 0 : index
    %swap3A_16 = vector.load %arg8[%swap3A, %swap3A_15] : memref<1000x16xf32, #tpu.memory_space<vmem>>, vector<1000x16xf32>
    tpu.vector_store %arg8[%swap3A, %swap3A_15], %broadcast_in_dim3A_14 {strides = array<i32>} : memref<1000x16xf32, #tpu.memory_space<vmem>>, vector<1000x16xf32>,
    %get3A_17 = arith.constant 0 : index
    %get3A_18 = arith.constant 0 : index
    %get3A_19 = arith.constant 0 : index
    %get3A_20 = vector.load %arg2[%get3A_17, %get3A_18, %get3A_19] : memref<2x1000x128xf32, #tpu.memory_space<vmem>>, vector<1x1000x64xf32>
    %get3A_21 = vector.shape_cast %get3A_20 : vector<1x1000x64xf32> to vector<1000x64xf32>
    %get3A_22 = arith.constant 1 : index
    %get3A_23 = arith.constant 0 : index
    %get3A_24 = arith.constant 0 : index
    %get3A_25 = vector.load %arg2[%get3A_22, %get3A_23, %get3A_24] : memref<2x1000x128xf32, #tpu.memory_space<vmem>>, vector<1x1000x64xf32>
    %get3A_26 = vector.shape_cast %get3A_25 : vector<1x1000x64xf32> to vector<1000x64xf32>
    %add3A_27 = arith.addf %get3A_21, %get3A_26 : vector<1000x64xf32>
    %mul3A = vector.broadcast %select_n3A : vector<1000x1xf32> to vector<1000x64xf32>
    %mul3A_28 = arith.mulf %add3A_27, %mul3A : vector<1000x64xf32>
    %get3A_29 = arith.constant 0 : index
    %get3A_30 = arith.constant 0 : index
    %get3A_31 = vector.load %arg1[%get3A_29, %get3A_30] : memref<1000x128xf32, #tpu.memory_space<vmem>>, vector<1000x128xf32>
    %slice3A = vector.extract_strided_slice %get3A_31 {offsets = [0, 0], sizes = [1000, 64], strides = [1, 1]} : vector<1000x128xf32> to vector<1000x64xf32>
    %get3A_32 = arith.constant 0 : index
    %get3A_33 = arith.constant 0 : index
    %get3A_34 = vector.load %arg4[%get3A_32, %get3A_33] : memref<64x64xf32, #tpu.memory_space<vmem>>, vector<64x64xf32>
    %dot_general3A = arith.constant dense<0.000000e+00> : vector<1000x64xf32>
    %dot_general3A_35 = tpu.matmul %mul3A_28, %get3A_34, %dot_general3A {dimension_numbers = #tpu.dot_dimension_numbers<[1], [0], [0], [1], [0, 0, 1, 1], [], []>, transpose_lhs_hint = false} : vector<1000x64xf32>, vector<64x64xf32>, vector<1000x64xf32> -> vector<1000x64xf32>
    %add3A_36 = arith.addf %slice3A, %dot_general3A_35 : vector<1000x64xf32>
    %get3A_37 = arith.constant 0 : index
    %get3A_38 = arith.constant 0 : index
    %get3A_39 = vector.load %arg5[%get3A_37, %get3A_38] : memref<1x64xf32, #tpu.memory_space<vmem>>, vector<1x64xf32>
    %add3A_40 = vector.broadcast %get3A_39 : vector<1x64xf32> to vector<1000x64xf32>
    %add3A_41 = arith.addf %add3A_36, %add3A_40 : vector<1000x64xf32>
    %swap3A_42 = arith.constant 0 : index
    %swap3A_43 = arith.constant 0 : index
    %swap3A_44 = vector.load %arg6[%swap3A_42, %swap3A_43] : memref<1000x64xf32, #tpu.memory_space<vmem>>, vector<1000x64xf32>
    tpu.vector_store %arg6[%swap3A_42, %swap3A_43], %add3A_41 {strides = array<i32>} : memref<1000x64xf32, #tpu.memory_space<vmem>>, vector<1000x64xf32>,
    %get3A_45 = arith.constant 0 : index
    %get3A_46 = arith.constant 0 : index
    %get3A_47 = vector.load %arg3[%get3A_45, %get3A_46] : memref<1000x16xf32, #tpu.memory_space<vmem>>, vector<1000x16xf32>
    %slice3A_48 = vector.extract_strided_slice %get3A_47 {offsets = [0, 0], sizes = [1000, 1], strides = [1, 1]} : vector<1000x16xf32> to vector<1000x1xf32>
    %mul3A_49 = vector.broadcast %slice3A_48 : vector<1000x1xf32> to vector<1000x64xf32>
    %mul3A_50 = arith.mulf %add3A_41, %mul3A_49 : vector<1000x64xf32>
    %broadcast_in_dim3A_51 = arith.constant 0.000000e+00 : f32
    %broadcast_in_dim3A_52 = vector.broadcast %broadcast_in_dim3A_51 : f32 to vector<1000x64xf32>
    %concatenate3A = tpu.concatenate %mul3A_50, %broadcast_in_dim3A_52 in 1 : vector<1000x64xf32>, vector<1000x64xf32> -> vector<1000x128xf32>
    %swap3A_53 = arith.constant 0 : index
    %swap3A_54 = arith.constant 0 : index
    %swap3A_55 = vector.load %arg7[%swap3A_53, %swap3A_54] : memref<1000x128xf32, #tpu.memory_space<vmem>>, vector<1000x128xf32>
    tpu.vector_store %arg7[%swap3A_53, %swap3A_54], %concatenate3A {strides = array<i32>} : memref<1000x128xf32, #tpu.memory_space<vmem>>, vector<1000x128xf32>,
    return
  }
  func.func @transform_0(%arg0: i32) -> (i32, i32) {
    %c0_i32 = arith.constant 0 : i32
    %c0_i32_0 = arith.constant 0 : i32
    return %arg0, %c0_i32 : i32, i32
  }
  func.func @transform_1(%arg0: i32) -> (i32, i32, i32) {
    %c0_i32 = arith.constant 0 : i32
    %c0_i32_0 = arith.constant 0 : i32
    %c0_i32_1 = arith.constant 0 : i32
    return %c0_i32, %arg0, %c0_i32_0 : i32, i32, i32
  }
  func.func @transform_2(%arg0: i32) -> (i32, i32) {
    %c0_i32 = arith.constant 0 : i32
    %c0_i32_0 = arith.constant 0 : i32
    return %arg0, %c0_i32 : i32, i32
  }
  func.func @transform_3(%arg0: i32) -> (i32, i32) {
    %c0_i32 = arith.constant 0 : i32
    %c0_i32_0 = arith.constant 0 : i32
    %c0_i32_1 = arith.constant 0 : i32
    return %c0_i32, %c0_i32_0 : i32, i32
  }
  func.func @transform_4(%arg0: i32) -> (i32, i32) {
    %c0_i32 = arith.constant 0 : i32
    %c0_i32_0 = arith.constant 0 : i32
    %c0_i32_1 = arith.constant 0 : i32
    return %c0_i32, %c0_i32_0 : i32, i32
  }
  func.func @transform_5(%arg0: i32) -> (i32, i32) {
    %c0_i32 = arith.constant 0 : i32
    %c0_i32_0 = arith.constant 0 : i32
    return %arg0, %c0_i32 : i32, i32
  }
  func.func @transform_6(%arg0: i32) -> (i32, i32) {
    %c0_i32 = arith.constant 0 : i32
    %c0_i32_0 = arith.constant 0 : i32
    return %arg0, %c0_i32 : i32, i32
  }
  func.func @transform_7(%arg0: i32) -> (i32, i32) {
    %c0_i32 = arith.constant 0 : i32
    %c0_i32_0 = arith.constant 0 : i32
    return %arg0, %c0_i32 : i32, i32
  }
}

module attributes {stable_mosaic.version = 14 : i64} {
  func.func @_lin2_body(%arg0: i32, %arg1: memref<1000x128xf32, #tpu.memory_space<vmem>>, %arg2: memref<2x1000x128xf32, #tpu.memory_space<vmem>>, %arg3: memref<1000x16xf32, #tpu.memory_space<vmem>>, %arg4: memref<64x64xf32, #tpu.memory_space<vmem>>, %arg5: memref<1x64xf32, #tpu.memory_space<vmem>>, %arg6: memref<1000x64xf32, #tpu.memory_space<vmem>>) attributes {dimension_semantics = [#tpu.dimension_semantics<arbitrary>], iteration_bounds = array<i64: 10>, scalar_prefetch = 0 : i64, scratch_operands = 0 : i64, tpu.core_type = #tpu.core_type<tc>, window_params = [{transform_indices = @transform_0, window_bounds = array<i64: 1000, 128>}, {transform_indices = @transform_1, window_bounds = array<i64: 2, 1000, 128>}, {transform_indices = @transform_2, window_bounds = array<i64: 1000, 16>}, {pipeline_mode = #tpu.pipeline_mode<synchronous>, transform_indices = @transform_3, window_bounds = array<i64: 64, 64>}, {pipeline_mode = #tpu.pipeline_mode<synchronous>, transform_indices = @transform_4, window_bounds = array<i64: 1, 64>}, {transform_indices = @transform_5, window_bounds = array<i64: 1000, 64>}]} {
    %get3A = arith.constant 0 : index
    %get3A_0 = arith.constant 0 : index
    %get3A_1 = arith.constant 0 : index
    %get3A_2 = vector.load %arg2[%get3A, %get3A_0, %get3A_1] : memref<2x1000x128xf32, #tpu.memory_space<vmem>>, vector<1x1000x64xf32>
    %get3A_3 = vector.shape_cast %get3A_2 : vector<1x1000x64xf32> to vector<1000x64xf32>
    %get3A_4 = arith.constant 1 : index
    %get3A_5 = arith.constant 0 : index
    %get3A_6 = arith.constant 0 : index
    %get3A_7 = vector.load %arg2[%get3A_4, %get3A_5, %get3A_6] : memref<2x1000x128xf32, #tpu.memory_space<vmem>>, vector<1x1000x64xf32>
    %get3A_8 = vector.shape_cast %get3A_7 : vector<1x1000x64xf32> to vector<1000x64xf32>
    %add3A = arith.addf %get3A_3, %get3A_8 : vector<1000x64xf32>
    %get3A_9 = arith.constant 0 : index
    %get3A_10 = arith.constant 0 : index
    %get3A_11 = vector.load %arg3[%get3A_9, %get3A_10] : memref<1000x16xf32, #tpu.memory_space<vmem>>, vector<1000x16xf32>
    %slice3A = vector.extract_strided_slice %get3A_11 {offsets = [0, 0], sizes = [1000, 1], strides = [1, 1]} : vector<1000x16xf32> to vector<1000x1xf32>
    %mul3A = vector.broadcast %slice3A : vector<1000x1xf32> to vector<1000x64xf32>
    %mul3A_12 = arith.mulf %add3A, %mul3A : vector<1000x64xf32>
    %get3A_13 = arith.constant 0 : index
    %get3A_14 = arith.constant 0 : index
    %get3A_15 = vector.load %arg1[%get3A_13, %get3A_14] : memref<1000x128xf32, #tpu.memory_space<vmem>>, vector<1000x128xf32>
    %slice3A_16 = vector.extract_strided_slice %get3A_15 {offsets = [0, 64], sizes = [1000, 64], strides = [1, 1]} : vector<1000x128xf32> to vector<1000x64xf32>
    %get3A_17 = arith.constant 0 : index
    %get3A_18 = arith.constant 0 : index
    %get3A_19 = vector.load %arg4[%get3A_17, %get3A_18] : memref<64x64xf32, #tpu.memory_space<vmem>>, vector<64x64xf32>
    %dot_general3A = arith.constant dense<0.000000e+00> : vector<1000x64xf32>
    %dot_general3A_20 = tpu.matmul %mul3A_12, %get3A_19, %dot_general3A {dimension_numbers = #tpu.dot_dimension_numbers<[1], [0], [0], [1], [0, 0, 1, 1], [], []>, transpose_lhs_hint = false} : vector<1000x64xf32>, vector<64x64xf32>, vector<1000x64xf32> -> vector<1000x64xf32>
    %add3A_21 = arith.addf %slice3A_16, %dot_general3A_20 : vector<1000x64xf32>
    %get3A_22 = arith.constant 0 : index
    %get3A_23 = arith.constant 0 : index
    %get3A_24 = vector.load %arg5[%get3A_22, %get3A_23] : memref<1x64xf32, #tpu.memory_space<vmem>>, vector<1x64xf32>
    %add3A_25 = vector.broadcast %get3A_24 : vector<1x64xf32> to vector<1000x64xf32>
    %add3A_26 = arith.addf %add3A_21, %add3A_25 : vector<1000x64xf32>
    %swap3A = arith.constant 0 : index
    %swap3A_27 = arith.constant 0 : index
    %swap3A_28 = vector.load %arg6[%swap3A, %swap3A_27] : memref<1000x64xf32, #tpu.memory_space<vmem>>, vector<1000x64xf32>
    tpu.vector_store %arg6[%swap3A, %swap3A_27], %add3A_26 {strides = array<i32>} : memref<1000x64xf32, #tpu.memory_space<vmem>>, vector<1000x64xf32>,
    return
  }
  func.func @transform_0(%arg0: i32) -> (i32, i32) {
    %c0_i32 = arith.constant 0 : i32
    %c0_i32_0 = arith.constant 0 : i32
    return %arg0, %c0_i32 : i32, i32
  }
  func.func @transform_1(%arg0: i32) -> (i32, i32, i32) {
    %c0_i32 = arith.constant 0 : i32
    %c0_i32_0 = arith.constant 0 : i32
    %c0_i32_1 = arith.constant 0 : i32
    return %c0_i32, %arg0, %c0_i32_0 : i32, i32, i32
  }
  func.func @transform_2(%arg0: i32) -> (i32, i32) {
    %c0_i32 = arith.constant 0 : i32
    %c0_i32_0 = arith.constant 0 : i32
    return %arg0, %c0_i32 : i32, i32
  }
  func.func @transform_3(%arg0: i32) -> (i32, i32) {
    %c0_i32 = arith.constant 0 : i32
    %c0_i32_0 = arith.constant 0 : i32
    %c0_i32_1 = arith.constant 0 : i32
    return %c0_i32, %c0_i32_0 : i32, i32
  }
  func.func @transform_4(%arg0: i32) -> (i32, i32) {
    %c0_i32 = arith.constant 0 : i32
    %c0_i32_0 = arith.constant 0 : i32
    %c0_i32_1 = arith.constant 0 : i32
    return %c0_i32, %c0_i32_0 : i32, i32
  }
  func.func @transform_5(%arg0: i32) -> (i32, i32) {
    %c0_i32 = arith.constant 0 : i32
    %c0_i32_0 = arith.constant 0 : i32
    return %arg0, %c0_i32 : i32, i32
  }
}

</mosaic_0001>

<sc_bundles>
// kernel: kernel.11.cloned.1.call-start
scs
__scs_entry_jumppad:
0x0: {  	(pc) =	sbr.rel $0x88, $3  }
0x1: {  	(tag) =	ssettag $0x0;
	lr =	simm.s32 $0x1  }
0x2: {  	[smem:$0x3F9B] =	sst lr;
	_ =	strace $0xD0000000  }
0x3: {  	_ = 	snop  }
0x4: {  	_ = 	snop  }
0x5: {  	_ = 	snop  }
0x6: {  	_ = 	snop  }
0x7: {  	_ = 	snop  }
__scs_overlays_trampoline_lowered:
0x8: {  	[smem:$0x3FAA] =	sst s0  }
0x9: {  	[smem:$0x3FAB] =	sst s1  }
0xa: {  	[smem:$0x3FAC] =	sst s2  }
0xb: {  	[smem:$0x3FAD] =	sst s3  }
0xc: {  	[smem:$0x3FAE] =	sst s4  }
0xd: {  	[smem:$0x3FAF] =	sst s5  }
0xe: {  	[smem:$0x3FB0] =	sst s6  }
0xf: {  	[smem:$0x3FB1] =	sst s7  }
0x10: {  	[smem:$0x3FB2] =	sst s8  }
0x11: {  	[smem:$0x3FB3] =	sst s9;
	s0 =	simm.s32 @!p0 $0x0  }
0x12: {  	s1 =	sld [smem:$0x3F99];
	s0 =	simm.s32 @p0 $0x1  }
0x13: {  	[smem:$0x3FB4] =	sst s0;
	s0 =	simm.s32 @!p1 $0x0  }
0x14: {  	s2 =	sld [smem:$0x3F98];
	s0 =	simm.s32 @p1 $0x1  }
0x15: {  	[smem:$0x3FB5] =	sst s0;
	s0 =	simm.s32 @!p2 $0x0  }
0x16: {  	s3 =	sld [smem:$0x3FDB];
	s0 =	simm.s32 @p2 $0x1  }
0x17: {  	s4 =	simm.s32 $0x1BF5;
	[smem:$0x3FB7] =	sst s0  }
0x18: {  	s0 =	sld [smem:$0x3F9A];
	_ =	swait.ge [sflag:s4], $0x0  }
0x19: {  	s7 =	sld [smem:$0x3F9B]  }
0x1a: {  	s8 =	sadd.s32 $0xFFFFE003, lr  }
0x1b: {  	s9 =	sadd.s32 $0xFFFFFEF7, lr;
	s5 =	simm.s32 $0xFFFFFFFF;
	p2 =	slt.u32 s8, $0xFFFFF086  }
0x1c: {  	p1 =	slt.u32 s9, $0xF7A;
	s5 =	simm.s32 @!p2 $0x0  }
0x1d: {  	s5 =	simm.s32 @p1 $0x1;
	p0 =	seq.s32 s7, s2  }
0x1e: {  	s7 =	smul.u32 @!p0 $0xF7A, s2;
	p2 =	seq.s32 @!p0 s5, $0x0  }
0x1f: {  	s9 =	smul.u32 $0xF7A, s1;
	s8 =	simm.s32 @!p0 $0x1BF5;
	p2 =	por !p2, p0  }
0x20: {  	[sflag:s8] =	ssyncset.s32 @!p0 $0xFFFFF086;
	s6 =	sadd.s32 @!p0 s3, s7;
	s7 =	simm.s32 @!p0 $0x108  }
0x21: {  	s3 =	sadd.s32 s3, s9;
	s6 =	sadd.s32 @!p0 $0x88, s6;
	s7 =	simm.s32 @p2 $0x1082  }
0x22: {  	[simem:s7], [sflag:s8] =	dma.local @!p0 [hbm:s6], $0xF7A  }
0x23: {  	s9 =	sor.u32 $0xD0000000, s2;
	s6 =	simm.s32 $0x108;
	_ =	swait.ge @!p0 [sflag:s8], $0x0  }
0x24: {  	s3 =	sadd.s32 $0x88, s3;
	s6 =	simm.s32 @!p1 $0x1082;
	[sflag:s4] =	ssyncset.s32 $0xFFFFF086  }
0x25: {  	[simem:s6], [sflag:s4] =	dma.local [hbm:s3], $0xF7A  }
0x26: {  	[smem:$0x3F9B] =	sst s1;
	(tag) =	ssettag s2;
	_ =	strace s9  }
0x27: {  	s1 =	sld [smem:$0x3FAB]  }
0x28: {  	s2 =	sld [smem:$0x3FAC]  }
0x29: {  	s4 =	sld [smem:$0x3FAE]  }
0x2a: {  	p0 =	seq.s32 s5, $0x0;
	s5 =	sld [smem:$0x3FAF]  }
0x2b: {  	s6 =	sld [smem:$0x3FB0]  }
0x2c: {  	s7 =	sld [smem:$0x3FB1]  }
0x2d: {  	s3 =	simm.s32 $0x108;
	s8 =	sld [smem:$0x3FB2]  }
0x2e: {  	s3 =	simm.s32 @!p0 $0x1082;
	s9 =	sld [smem:$0x3FB3]  }
0x2f: {  	lr =	sadd.s32 s0, s3;
	s0 =	sld [smem:$0x3FAA]  }
0x30: {  	s3 =	sld [smem:$0x3FAD]  }
0x31: {  	[smem:$0x3FB6] =	sst s10  }
0x32: {  	s10 =	sld [smem:$0x3FB4];
	_ =	sdelay $0x3  }
0x33: {  	p0 =	seq.s32 s10, $0x1;
	s10 =	sld [smem:$0x3FB6];
	_ =	sdelay $0x3  }
0x34: {  	[smem:$0x3FB6] =	sst s10  }
0x35: {  	s10 =	sld [smem:$0x3FB5];
	_ =	sdelay $0x3  }
0x36: {  	p1 =	seq.s32 s10, $0x1;
	s10 =	sld [smem:$0x3FB6];
	_ =	sdelay $0x3  }
0x37: {  	[smem:$0x3FB6] =	sst s10  }
0x38: {  	s10 =	sld [smem:$0x3FB7]  }
0x39: {  	_ = 	snop;
	(pc) =	sbr.ind lr, $3  }
0x3a: {  	_ = 	snop  }
0x3b: {  	_ = 	snop  }
0x3c: {  	p2 =	seq.s32 s10, $0x1;
	s10 =	sld [smem:$0x3FB6]  }
0x3d: {  	_ =	shalt  }
0x3e: {  	_ =	shalt  }
0x3f: {  	_ =	shalt  }
0x40: {  	_ =	shalt  }
0x41: {  	_ =	shalt  }
0x42: {  	_ =	shalt  }
0x43: {  	_ =	shalt  }
0x44: {  	_ =	shalt  }
0x45: {  	_ =	shalt  }
0x46: {  	_ =	shalt  }
0x47: {  	_ =	shalt  }
0x48: {  	_ =	shalt  }
0x49: {  	_ =	shalt  }
0x4a: {  	_ =	shalt  }
0x4b: {  	_ =	shalt  }
0x4c: {  	_ =	shalt  }
0x4d: {  	_ =	shalt  }
0x4e: {  	_ =	shalt  }
0x4f: {  	_ =	shalt  }
0x50: {  	_ =	shalt  }
0x51: {  	_ =	shalt  }
0x52: {  	_ =	shalt  }
0x53: {  	_ =	shalt  }
0x54: {  	_ =	shalt  }
0x55: {  	_ =	shalt  }
0x56: {  	_ =	shalt  }
0x57: {  	_ =	shalt  }
0x58: {  	_ =	shalt  }
0x59: {  	_ =	shalt  }
0x5a: {  	_ =	shalt  }
0x5b: {  	_ =	shalt  }
0x5c: {  	_ =	shalt  }
0x5d: {  	_ =	shalt  }
0x5e: {  	_ =	shalt  }
0x5f: {  	_ =	shalt  }
0x60: {  	_ =	shalt  }
0x61: {  	_ =	shalt  }
0x62: {  	_ =	shalt  }
0x63: {  	_ =	shalt  }
0x64: {  	_ =	shalt  }
0x65: {  	_ =	shalt  }
0x66: {  	_ =	shalt  }
0x67: {  	_ =	shalt  }
0x68: {  	_ =	shalt  }
0x69: {  	_ =	shalt  }
0x6a: {  	_ =	shalt  }
0x6b: {  	_ =	shalt  }
0x6c: {  	_ =	shalt  }
0x6d: {  	_ =	shalt  }
0x6e: {  	_ =	shalt  }
0x6f: {  	_ =	shalt  }
0x70: {  	_ =	shalt  }
0x71: {  	_ =	shalt  }
0x72: {  	_ =	shalt  }
0x73: {  	_ =	shalt  }
0x74: {  	_ =	shalt  }
0x75: {  	_ =	shalt  }
0x76: {  	_ =	shalt  }
0x77: {  	_ =	shalt  }
0x78: {  	_ =	shalt  }
0x79: {  	_ =	shalt  }
0x7a: {  	_ =	shalt  }
0x7b: {  	_ =	shalt  }
0x7c: {  	_ =	shalt  }
0x7d: {  	_ =	shalt  }
0x7e: {  	_ =	shalt  }
0x7f: {  	_ =	shalt  }
0x80: {  	_ =	shalt  }
0x81: {  	_ =	shalt  }
0x82: {  	_ =	shalt  }
0x83: {  	_ =	shalt  }
0x84: {  	_ =	shalt  }
0x85: {  	_ =	shalt  }
0x86: {  	_ =	shalt  }
0x87: {  	_ =	shalt  }
.Lfunc_end0:
.L_simem_size_0:
called_computation.1_lowered:
.L_overlay_start_0:
0x88: {  	s2 =	sld [smem:$0x3FD9]  }
0x89: {  	s3 =	sld [smem:$0x3FFE];
	_ =	sdelay $0x1  }
0x8a: {  	s1 =	srdreg.scid  }
0x8b: {  	s0 =	sand.u32 $0x1, s1  }
0x8c: {  	s17 =	sshll.u32 s0, $0xA;
	s2 =	sadd.s32 s3, s2  }
0x8d: {  	s2 =	sadd.s32 s2, s17  }
0x8e: {  	[smem:$0x3FC2] =	sst s2  }
0x8f: {  	_ = 	snop  }
0x90: {  	s2 =	sld [smem:$0x3FD0];
	(tm) =	ssettm $0x1  }
0x91: {  	s18 =	sld [smem:$0x3FFB];
	_ =	sdelay $0x3  }
0x92: {  	_ =	strace s18  }
0x93: {  	s3 =	sld [smem:$0x3FFC];
	_ =	sdelay $0x3  }
0x94: {  	_ =	strace s3  }
0x95: {  	s3 =	sld [smem:$0x3FFD];
	_ =	sdelay $0x3  }
0x96: {  	_ =	strace s3  }
0x97: {  	_ =	strace $0x8FFFFFFF  }
0x98: {  	s19 =	sld [smem:$0x3FDB];
	_ =	sdelay $0x1  }
0x99: {  	s4 =	simm.s32 $_scs_section_size  }
0x9a: {  	s5 =	simm.s32 $_size__tile_overlayer_lowered;
	s6 =	simm.s32 $_tile_overlayer_lowered  }
0x9b: {  	s22 =	simm.s32 $0x1BFF;
	s21 =	sshll.u32 s6, $0x1;
	s3 =	sadd.s32 s4, s19  }
0x9c: {  	s7 =	simm.s32 $0x0;
	s20 =	sshll.u32 s5, $0x1;
	s5 =	sadd.s32 s21, s3  }
0x9d: {  	[timem:s7], [sflag:s22] =	dma.local [hbm:s5], s20  }
0x9e: {  	_ =	swait.ge [sflag:s22], s20  }
0x9f: {  	s4 =	ssub.s32 $0x0, s20;
	[sflag:s22] =	ssyncset.done $0x0  }
0xa0: {  	[sflag:s22] =	ssyncadd.s32 s4;
	_ =	sdelay $0x1  }
0xa1: {  	s23 =	simm.s32 $0x1B8B  }
0xa2: {  	_ =	swait.ge [sflag:s23], $0x1  }
0xa3: {  	[sflag:s23] =	ssyncset.done $0x0  }
0xa4: {  	s25 =	simm.s32 $0x1B8E;
	s24 =	sld [smem:$0x3FFE];
	[sflag:s23] =	ssyncadd.s32 $0xFFFFFFFF  }
0xa5: {  	s26 =	simm.s32 $execute0_lowered;
	[smem:$0x3FD2] =	sst s25  }
0xa6: {  	s5 =	sshll.u32 s26, $0x1;
	_ =	strace $0x80000049;
	[dreg:$0x1] =	wrdreg $0xFFFFFFFF  }
0xa7: {  	s28 =	simm.s32 $_size_execute0_lowered;
	s3 =	sadd.s32 s3, s5;
	[dreg:$0x0] =	wrdreg $0x0  }
0xa8: {  	s5 =	sshll.u32 s28, $0x1;
	[dreg:$0x2] =	wrdreg s3  }
0xa9: {  	[dreg:$0x3] =	wrdreg s5  }
0xaa: {  	[dreg:$0x4] =	wrdreg $0xC0  }
0xab: {  	_ =	task [dreg:s7], $0x5FFFF  }
0xac: {  	[dreg:$0x1] =	wrdreg $0xFFFFFFFF  }
0xad: {  	[dreg:$0x0] =	wrdreg $0x60  }
0xae: {  	[dreg:$0x2] =	wrdreg s2  }
0xaf: {  	[dreg:$0x3] =	wrdreg s24  }
0xb0: {  	[dreg:$0x4] =	wrdreg $0x0  }
0xb1: {  	[dreg:$0x5] =	wrdreg $0x9  }
0xb2: {  	_ =	task.clear_ibuf [dreg:s7], $0x6FFFF;
	_ =	strace $0x90000049  }
0xb3: {  	s29 =	simm.s32 $0x9;
	_ =	strace $0x8000004B  }
0xb4: {  	_ =	swait.ge [sflag:s29], $0x1  }
0xb5: {  	[sflag:s29] =	ssyncadd.s32 $0xFFFFFFFF  }
0xb6: {  	_ =	strace $0x9000004B  }
0xb7: {  	_ =	sfence  }
0xb8: {  	s30 =	sld [smem:$0x0];
	_ =	sdelay $0x2  }
0xb9: {  	s31 =	sshll.u32 s1, $0xD;
	s1 =	sshrl.u32 s1, $0x2  }
0xba: {  	s3 =	sand.u32 $0x4000, s31;
	s1 =	sadd.s32 s1, s30  }
0xbb: {  	s0 =	sor.u32 s3, s0;
	s1 =	sshll.u32 s1, $0x11  }
0xbc: {  	s0 =	sor.u32 s1, s0  }
0xbd: {  	s0 =	sadd.s32 $0x8F2B, s0  }
0xbe: {  	[sflag:s0] =	ssyncadd.remote.s32 $0x1  }
0xbf: {  	_ =	sfence.sel $0xFFFF  }
0xc0: {  	[dreg:$0x0] =	wrdreg $0xFFFFFFFF;
	(pc) =	sbr.abs _section_cstart, $3  }
0xc1: {  	[dreg:$0x1] =	wrdreg $0xFFFFFFFF  }
0xc2: {  	_ =	task.clear_ibuf [dreg:s7], $0x2FFFF;
	_ =	strace $0x9FFFFFFF  }
0xc3: {  	(tm) =	ssettm $0x7FFFFFFF  }
tec
execute0_lowered:
.L_overlay_start_1:
0x0: {  	(tag) =	ssettag $0x1  }
0x1: {  	s1 =	rddreg [dreg:$0x0]  }
0x2: {  	s6 =	rddreg [dreg:$0x1]  }
0x3: {  	s2 =	rddreg [dreg:$0x2]  }
0x4: {  	s4 =	srdreg.scid;
	s3 =	simm.s32 $0x0;
	s0 =	stileid.u32  }
0x5: {  	s13 =	simm.s32 $0x2;
	s16 =	simm.s32 $0x15880;
	s17 =	simm.s32 $0x13900  }
0x6: {  	s18 =	simm.s32 $0x18080;
	s19 =	simm.s32 $0x13980;
	s9 =	smul.u32 $0x4F000, s0  }
0x7: {  	s20 =	simm.s32 $0x1A880;
	s21 =	simm.s32 $0x1;
	s14 =	smul.u32 $0xA00, s0  }
0x8: {  	s23 =	simm.s32 $0x0;
	s7 =	sand.u32 $0x1, s4;
	s22 =	smul.u32 $0x2780, s0  }
0x9: {  	[smem:$0x7FF] =	sst s3;
	p0 =	seq.s32 s0, $0xF;
	s5 =	smul.u32 $0xA000, s7  }
0xa: {  	s8 =	smul.u32 $0x27100, s7;
	_ =	strace $0x8000004A;
	s7 =	ssub.s32 $0x2, s7  }
0xb: {  	s31 =	sshrl.u32 s7, $0x1;
	s9 =	sshrl.u32 s9, $0x2;
	s10 =	sadd.s32 s5, s6  }
0xc: {  	s5 =	sadd.s32 $0x15E00, s6;
	s6 =	sadd.s32 s8, s6;
	s7 =	ssub.s32 s7, s31  }
0xd: {  	s11 =	sadd.s32 s9, s2;
	s8 =	sadd.s32 $0x128400, s2;
	s9 =	sshll.u32 @!p0 s0, $0x6  }
0xe: {  	s12 =	sadd.s32 $0x1E00, s10;
	s15 =	sadd.s32 $0x66800, s10;
	s6 =	sadd.s32 $0x7A800, s6  }
0xf: {  	s7 =	smax.u32 s7, $0x1;
	s8 =	sshrl.u32 @p0 s8, $0x3;
	s9 =	sor.u32 @!p0 $0x1C02, s9  }
0x10: {  	s10 =	sshrl.u32 @!p0 s11, $0x3;
	s11 =	sadd.s32 s14, s12;
	s12 =	simm.s32 $0x13880  }
0x11: {  	s14 =	sadd.s32 s14, s15;
	s15 =	simm.s32 $0x50;
	s22 =	sadd.s32 @!p0 s22, s6  }
.LBB2_1:
0x12: {  	s24 =	simm.s32 @p0 $0x1FC2  }
0x13: {  	[spmem:s8], [sflag:s24] =	dma.local @p0 [hbm:s5], $0x2080  }
0x14: {  	s24 =	simm.s32 @p0 $0x2  }
0x15: {  	_ =	swait.ge @p0 [sflag:s24], $0x2080  }
0x16: {  	[sflag:s24] =	ssyncset.done @p0 $0x0  }
0x17: {  	[sflag:s24] =	ssyncadd.s32 @p0 $0xFFFFDF80;
	s24 =	simm.s32 @!p0 $0x2  }
0x18: {  	[spmem:s10], [sflag:s9] =	dma.local @!p0 [hbm:s5], $0x2780  }
0x19: {  	_ =	swait.ge @!p0 [sflag:s24], $0x2780  }
0x1a: {  	[sflag:s24] =	ssyncset.done @!p0 $0x0  }
0x1b: {  	[sflag:s24] =	ssyncadd.s32 @!p0 $0xFFFFD880  }
0x1c: {  	s24 =	simm.s32 $0x0;
	[bflag:$0x0] =	sbarrier.arrive $0xFFFF  }
.LBB2_2:
0x1d: {  	s25 =	sshll.u32 s24, $0x9  }
0x1e: {  	s26 =	sadd.s32 s25, s11  }
0x1f: {  	[tilespmem:s12], [sflag:$0x2] =	stream.linear.gather [hbm4b:s26+s3], $0xC80, $0x38;
	[tilespmem:$0x1F880] =	vst v63  }
0x20: {  	_ =	swait.ge [sflag:s13], $0xC80  }
0x21: {  	[sflag:s13] =	ssyncset.done $0x0  }
0x22: {  	s4 =	simm.s32 $0x14880;
	s25 =	sadd.s32 s25, s14;
	[sflag:s13] =	ssyncadd.s32 $0xFFFFF380  }
0x23: {  	[tilespmem:s4], [sflag:$0x2] =	stream.linear.gather [hbm4b:s25+s3], $0xC80, $0x38;
	[tilespmem:$0x1F880] =	vst v63  }
0x24: {  	_ =	swait.ge [sflag:s13], $0xC80  }
0x25: {  	[sflag:s13] =	ssyncset.done $0x0  }
0x26: {  	p1 =	por $0x0, $0x0;
	s25 =	simm.s32 $0x3;
	[sflag:s13] =	ssyncadd.s32 $0xFFFFF380  }
0x27: {  	[tilespmem:s16], [sflag:$0x1] =	stream.indirect.gather [hbm4b:s1+s15], $0x80, s12, s15, $0xb8;
	[tilespmem:$0x1F880] =	vst v63  }
0x28: {  	s28 =	simm.s32 $0x0;
	s25 =	sand.u32 @!p1 $0x3, s25  }
0x29: {  	[tilespmem:s18], [sflag:$0x1] =	stream.indirect.gather [hbm4b:s1+s15], $0x80, s17, s15, $0xb8;
	[tilespmem:$0x1F880] =	vst v63  }
0x2a: {  	s29 =	simm.s32 $0x13A00;
	s28 =	sand.u32 $0x3, s28;
	s25 =	smul.u32 @!p1 $0xA000, s25  }
0x2b: {  	[tilespmem:s20], [sflag:$0x1] =	stream.indirect.gather [hbm4b:s1+s15], $0x80, s19, s15, $0xb8;
	[tilespmem:$0x1F880] =	vst v63  }
0x2c: {  	s30 =	simm.s32 @!p1 $0x50;
	s28 =	smul.u32 $0xA000, s28;
	_ =	swait.ge [sflag:s21], $0x2800  }
0x2d: {  	s26 =	simm.s32 $0x13A80;
	s25 =	sshrl.u32 @!p1 s25, $0x2;
	[sflag:s21] =	ssyncset.done $0x0  }
0x2e: {  	s31 =	sshrl.u32 s28, $0x2;
	s25 =	sadd.s32 @!p1 $0x15880, s25;
	[sflag:s21] =	ssyncadd.s32 $0xFFFFD800  }
0x2f: {  	[tilespmem:s25], [sflag:$0x1] =	stream.indirect.gather @!p1 [hbm4b:s1+s30], $0x80, s29, s30, $0xb8;
	[tilespmem:$0x1F880] =	vst v63  }
0x30: {  	s28 =	simm.s32 $0x4;
	s25 =	sadd.s32 $0x15880, s31;
	s29 =	simm.s32 $0x5  }
0x31: {  	[spmem:s2] =	stream.indirect.scatter.add.f32 [tilespmem:s25], [sflag:$0x2], $0x80, s4, s15, $0xb8;
	[tilespmem:$0x1F880] =	vst v63  }
0x32: {  	s30 =	simm.s32 $0x1;
	s25 =	simm.s32 $0x14900;
	_ =	swait.ge [sflag:s13], $0x2800  }
.LBB2_3:
0x33: {  	p2 =	sgt.u32 s30, $0x15;
	[sflag:s13] =	ssyncset.done $0x0  }
0x34: {  	s31 =	smov.u32 s29;
	s29 =	sadd.s32 $0x1, s29;
	s0 =	smov.u32 s25  }
0x35: {  	p1 =	sne.s32 s29, $0x1C;
	s28 =	sand.u32 @!p2 $0x3, s28;
	[sflag:s13] =	ssyncadd.s32 $0xFFFFD800  }
0x36: {  	s4 =	smul.u32 @!p2 $0xA000, s28;
	s28 =	smov.u32 s31  }
0x37: {  	s30 =	sand.u32 $0x3, s30;
	_ =	swait.ge [sflag:s21], $0x2800  }
0x38: {  	s30 =	smul.u32 $0xA000, s30;
	[sflag:s21] =	ssyncset.done $0x0;
	s4 =	sshrl.u32 @!p2 s4, $0x2  }
0x39: {  	s31 =	simm.s32 @!p2 $0x50;
	[sflag:s21] =	ssyncadd.s32 $0xFFFFD800;
	s4 =	sadd.s32 @!p2 $0x15880, s4  }
0x3a: {  	[tilespmem:s4], [sflag:$0x1] =	stream.indirect.gather @!p2 [hbm4b:s1+s31], $0x80, s26, s31, $0xb8;
	[tilespmem:$0x1F880] =	vst v63  }
.Ltmp0:
0x3b: {  	_ = 	snop;
	(pc) =	sbr.rel @p1 .LBB2_3-.Ltmp0, $4  }
0x3c: {  	s4 =	sshrl.u32 s30, $0x2  }
0x3d: {  	s25 =	sadd.s32 $0x80, s25;
	s4 =	sadd.s32 $0x15880, s4  }
0x3e: {  	[spmem:s2] =	stream.indirect.scatter.add.f32 [tilespmem:s4], [sflag:$0x2], $0x80, s0, s15, $0xb8;
	[tilespmem:$0x1F880] =	vst v63  }
0x3f: {  	s30 =	sadd.s32 $0xFFFFFFFD, s28;
	s26 =	sadd.s32 $0x80, s26;
	_ =	swait.ge [sflag:s13], $0x2800  }
0x40: {  	p1 =	sgt.u32 s30, $0x15  }
0x41: {  	[sflag:s13] =	ssyncset.done $0x0;
	s0 =	sand.u32 @!p1 $0x3, s28  }
0x42: {  	[sflag:s13] =	ssyncadd.s32 $0xFFFFD800;
	s0 =	smul.u32 @!p1 $0xA000, s0  }
0x43: {  	s4 =	sand.u32 $0x3, s30;
	s24 =	sadd.s32 $0x1, s24;
	_ =	swait.ge [sflag:s21], $0x2800  }
0x44: {  	s4 =	smul.u32 $0xA000, s4;
	[sflag:s21] =	ssyncset.done $0x0;
	s0 =	sshrl.u32 @!p1 s0, $0x2  }
0x45: {  	s28 =	simm.s32 @!p1 $0x50;
	[sflag:s21] =	ssyncadd.s32 $0xFFFFD800;
	s0 =	sadd.s32 @!p1 $0x15880, s0  }
0x46: {  	[tilespmem:s0], [sflag:$0x1] =	stream.indirect.gather @!p1 [hbm4b:s1+s28], $0x80, s26, s28, $0xb8;
	[tilespmem:$0x1F880] =	vst v63  }
0x47: {  	s31 =	sshrl.u32 s4, $0x2;
	p1 =	sne.s32 s24, $0x5  }
.Ltmp1:
0x48: {  	s0 =	sadd.s32 $0x15880, s31;
	(pc) =	sbr.rel @p1 .LBB2_2-.Ltmp1, $4  }
0x49: {  	[spmem:s2] =	stream.indirect.scatter.add.f32 [tilespmem:s0], [sflag:$0x2], $0x80, s25, s15, $0xb8;
	[tilespmem:$0x1F880] =	vst v63  }
0x4a: {  	_ =	swait.ge [sflag:s13], $0x2800  }
0x4b: {  	[sflag:s13] =	ssyncset.done $0x0  }
0x4c: {  	[sflag:s13] =	ssyncadd.s32 $0xFFFFD800  }
0x4d: {  	[bflag:$0x0] =	sbarrier.arrive $0xFFFF;
	s0 =	sadd.s32 @p0 $0x25080, s6;
	s4 =	simm.s32 @p0 $0x1FC2  }
0x4e: {  	[hbm:s0], [sflag:s4] =	dma.local @p0 [spmem:s8], $0x2080  }
0x4f: {  	s0 =	simm.s32 @p0 $0x2  }
0x50: {  	s23 =	sadd.s32 $0x1, s23;
	_ =	swait.ge @p0 [sflag:s0], $0x2080  }
0x51: {  	p1 =	sne.s32 s23, s7;
	[sflag:s0] =	ssyncset.done @p0 $0x0  }
.Ltmp2:
0x52: {  	[sflag:s0] =	ssyncadd.s32 @p0 $0xFFFFDF80;
	s0 =	simm.s32 @!p0 $0x2;
	(pc) =	sbr.rel @p1 .LBB2_1-.Ltmp2, $4  }
0x53: {  	[hbm:s22], [sflag:s9] =	dma.local @!p0 [spmem:s10], $0x2780  }
0x54: {  	_ =	swait.ge @!p0 [sflag:s0], $0x2780  }
0x55: {  	[sflag:s0] =	ssyncset.done @!p0 $0x0  }
0x56: {  	[sflag:s0] =	ssyncadd.s32 @!p0 $0xFFFFD880  }
0x57: {  	_ =	sfence.sel $0x180000  }
0x58: {  	[bflag:$0x0] =	sbarrier.arrive $0xFFFF  }
0x59: {  	_ =	strace $0x9000004A  }
0x5a: {  	s0 =	stileid.u32;
	[bflag:$0x2] =	sbarrier.arrive $0xFFFF  }
0x5b: {  	p0 =	sne.s32 s0, $0x0;
	s0 =	rddreg [dreg:$0x3]  }
0x5c: {  	s0 =	sadd.s32 @!p0 $0x100000, s0  }
0x5d: {  	[sflag:s0] =	ssyncadd.tile.s32 @!p0 $0x1;
	_ =	shalt  }
.Lfunc_end2:
_tile_overlayer_lowered:
.L_overlay_start_2:
0x5e: {  	(tag) =	ssettag $0x2  }
0x5f: {  	s0 =	rddreg [dreg:$0x0];
	s2 =	stileid.u32  }
0x60: {  	s1 =	rddreg [dreg:$0x1];
	p0 =	sne.s32 s2, $0x0  }
0x61: {  	s3 =	rddreg [dreg:$0x2];
	[bflag:$0x3] =	sbarrier.arrive $0xFFFF;
	s2 =	simm.s32 @!p0 $0x1C02  }
0x62: {  	[timem:s3], [sflag:s2] =	dma.local @!p0 [hbm:s0], s1  }
0x63: {  	s0 =	simm.s32 @!p0 $0x2  }
0x64: {  	_ =	swait.ge @!p0 [sflag:s0], s1  }
0x65: {  	s1 =	ssub.s32 @!p0 $0x0, s1;
	[sflag:s0] =	ssyncset.done @!p0 $0x0  }
0x66: {  	[sflag:s0] =	ssyncadd.s32 @!p0 s1  }
0x67: {  	[bflag:$0x3] =	sbarrier.arrive $0xFFFF  }
0x68: {  	_ =	shalt  }

// kernel: kernel.14.cloned.1.call-start
scs
__scs_entry_jumppad:
0x0: {  	(pc) =	sbr.rel $0x88, $3  }
0x1: {  	(tag) =	ssettag $0x0;
	lr =	simm.s32 $0x1  }
0x2: {  	[smem:$0x3F9B] =	sst lr;
	_ =	strace $0xD0000000  }
0x3: {  	_ = 	snop  }
0x4: {  	_ = 	snop  }
0x5: {  	_ = 	snop  }
0x6: {  	_ = 	snop  }
0x7: {  	_ = 	snop  }
__scs_overlays_trampoline_lowered:
0x8: {  	[smem:$0x3FAA] =	sst s0  }
0x9: {  	[smem:$0x3FAB] =	sst s1  }
0xa: {  	[smem:$0x3FAC] =	sst s2  }
0xb: {  	[smem:$0x3FAD] =	sst s3  }
0xc: {  	[smem:$0x3FAE] =	sst s4  }
0xd: {  	[smem:$0x3FAF] =	sst s5  }
0xe: {  	[smem:$0x3FB0] =	sst s6  }
0xf: {  	[smem:$0x3FB1] =	sst s7  }
0x10: {  	[smem:$0x3FB2] =	sst s8  }
0x11: {  	[smem:$0x3FB3] =	sst s9;
	s0 =	simm.s32 @!p0 $0x0  }
0x12: {  	s1 =	sld [smem:$0x3F99];
	s0 =	simm.s32 @p0 $0x1  }
0x13: {  	[smem:$0x3FB4] =	sst s0;
	s0 =	simm.s32 @!p1 $0x0  }
0x14: {  	s2 =	sld [smem:$0x3F98];
	s0 =	simm.s32 @p1 $0x1  }
0x15: {  	[smem:$0x3FB5] =	sst s0;
	s0 =	simm.s32 @!p2 $0x0  }
0x16: {  	s3 =	sld [smem:$0x3FDB];
	s0 =	simm.s32 @p2 $0x1  }
0x17: {  	s4 =	simm.s32 $0x1BF5;
	[smem:$0x3FB7] =	sst s0  }
0x18: {  	s0 =	sld [smem:$0x3F9A];
	_ =	swait.ge [sflag:s4], $0x0  }
0x19: {  	s7 =	sld [smem:$0x3F9B]  }
0x1a: {  	s8 =	sadd.s32 $0xFFFFE003, lr  }
0x1b: {  	s9 =	sadd.s32 $0xFFFFFEF7, lr;
	s5 =	simm.s32 $0xFFFFFFFF;
	p2 =	slt.u32 s8, $0xFFFFF086  }
0x1c: {  	p1 =	slt.u32 s9, $0xF7A;
	s5 =	simm.s32 @!p2 $0x0  }
0x1d: {  	s5 =	simm.s32 @p1 $0x1;
	p0 =	seq.s32 s7, s2  }
0x1e: {  	s7 =	smul.u32 @!p0 $0xF7A, s2;
	p2 =	seq.s32 @!p0 s5, $0x0  }
0x1f: {  	s9 =	smul.u32 $0xF7A, s1;
	s8 =	simm.s32 @!p0 $0x1BF5;
	p2 =	por !p2, p0  }
0x20: {  	[sflag:s8] =	ssyncset.s32 @!p0 $0xFFFFF086;
	s6 =	sadd.s32 @!p0 s3, s7;
	s7 =	simm.s32 @!p0 $0x108  }
0x21: {  	s3 =	sadd.s32 s3, s9;
	s6 =	sadd.s32 @!p0 $0x88, s6;
	s7 =	simm.s32 @p2 $0x1082  }
0x22: {  	[simem:s7], [sflag:s8] =	dma.local @!p0 [hbm:s6], $0xF7A  }
0x23: {  	s9 =	sor.u32 $0xD0000000, s2;
	s6 =	simm.s32 $0x108;
	_ =	swait.ge @!p0 [sflag:s8], $0x0  }
0x24: {  	s3 =	sadd.s32 $0x88, s3;
	s6 =	simm.s32 @!p1 $0x1082;
	[sflag:s4] =	ssyncset.s32 $0xFFFFF086  }
0x25: {  	[simem:s6], [sflag:s4] =	dma.local [hbm:s3], $0xF7A  }
0x26: {  	[smem:$0x3F9B] =	sst s1;
	(tag) =	ssettag s2;
	_ =	strace s9  }
0x27: {  	s1 =	sld [smem:$0x3FAB]  }
0x28: {  	s2 =	sld [smem:$0x3FAC]  }
0x29: {  	s4 =	sld [smem:$0x3FAE]  }
0x2a: {  	p0 =	seq.s32 s5, $0x0;
	s5 =	sld [smem:$0x3FAF]  }
0x2b: {  	s6 =	sld [smem:$0x3FB0]  }
0x2c: {  	s7 =	sld [smem:$0x3FB1]  }
0x2d: {  	s3 =	simm.s32 $0x108;
	s8 =	sld [smem:$0x3FB2]  }
0x2e: {  	s3 =	simm.s32 @!p0 $0x1082;
	s9 =	sld [smem:$0x3FB3]  }
0x2f: {  	lr =	sadd.s32 s0, s3;
	s0 =	sld [smem:$0x3FAA]  }
0x30: {  	s3 =	sld [smem:$0x3FAD]  }
0x31: {  	[smem:$0x3FB6] =	sst s10  }
0x32: {  	s10 =	sld [smem:$0x3FB4];
	_ =	sdelay $0x3  }
0x33: {  	p0 =	seq.s32 s10, $0x1;
	s10 =	sld [smem:$0x3FB6];
	_ =	sdelay $0x3  }
0x34: {  	[smem:$0x3FB6] =	sst s10  }
0x35: {  	s10 =	sld [smem:$0x3FB5];
	_ =	sdelay $0x3  }
0x36: {  	p1 =	seq.s32 s10, $0x1;
	s10 =	sld [smem:$0x3FB6];
	_ =	sdelay $0x3  }
0x37: {  	[smem:$0x3FB6] =	sst s10  }
0x38: {  	s10 =	sld [smem:$0x3FB7]  }
0x39: {  	_ = 	snop;
	(pc) =	sbr.ind lr, $3  }
0x3a: {  	_ = 	snop  }
0x3b: {  	_ = 	snop  }
0x3c: {  	p2 =	seq.s32 s10, $0x1;
	s10 =	sld [smem:$0x3FB6]  }
0x3d: {  	_ =	shalt  }
0x3e: {  	_ =	shalt  }
0x3f: {  	_ =	shalt  }
0x40: {  	_ =	shalt  }
0x41: {  	_ =	shalt  }
0x42: {  	_ =	shalt  }
0x43: {  	_ =	shalt  }
0x44: {  	_ =	shalt  }
0x45: {  	_ =	shalt  }
0x46: {  	_ =	shalt  }
0x47: {  	_ =	shalt  }
0x48: {  	_ =	shalt  }
0x49: {  	_ =	shalt  }
0x4a: {  	_ =	shalt  }
0x4b: {  	_ =	shalt  }
0x4c: {  	_ =	shalt  }
0x4d: {  	_ =	shalt  }
0x4e: {  	_ =	shalt  }
0x4f: {  	_ =	shalt  }
0x50: {  	_ =	shalt  }
0x51: {  	_ =	shalt  }
0x52: {  	_ =	shalt  }
0x53: {  	_ =	shalt  }
0x54: {  	_ =	shalt  }
0x55: {  	_ =	shalt  }
0x56: {  	_ =	shalt  }
0x57: {  	_ =	shalt  }
0x58: {  	_ =	shalt  }
0x59: {  	_ =	shalt  }
0x5a: {  	_ =	shalt  }
0x5b: {  	_ =	shalt  }
0x5c: {  	_ =	shalt  }
0x5d: {  	_ =	shalt  }
0x5e: {  	_ =	shalt  }
0x5f: {  	_ =	shalt  }
0x60: {  	_ =	shalt  }
0x61: {  	_ =	shalt  }
0x62: {  	_ =	shalt  }
0x63: {  	_ =	shalt  }
0x64: {  	_ =	shalt  }
0x65: {  	_ =	shalt  }
0x66: {  	_ =	shalt  }
0x67: {  	_ =	shalt  }
0x68: {  	_ =	shalt  }
0x69: {  	_ =	shalt  }
0x6a: {  	_ =	shalt  }
0x6b: {  	_ =	shalt  }
0x6c: {  	_ =	shalt  }
0x6d: {  	_ =	shalt  }
0x6e: {  	_ =	shalt  }
0x6f: {  	_ =	shalt  }
0x70: {  	_ =	shalt  }
0x71: {  	_ =	shalt  }
0x72: {  	_ =	shalt  }
0x73: {  	_ =	shalt  }
0x74: {  	_ =	shalt  }
0x75: {  	_ =	shalt  }
0x76: {  	_ =	shalt  }
0x77: {  	_ =	shalt  }
0x78: {  	_ =	shalt  }
0x79: {  	_ =	shalt  }
0x7a: {  	_ =	shalt  }
0x7b: {  	_ =	shalt  }
0x7c: {  	_ =	shalt  }
0x7d: {  	_ =	shalt  }
0x7e: {  	_ =	shalt  }
0x7f: {  	_ =	shalt  }
0x80: {  	_ =	shalt  }
0x81: {  	_ =	shalt  }
0x82: {  	_ =	shalt  }
0x83: {  	_ =	shalt  }
0x84: {  	_ =	shalt  }
0x85: {  	_ =	shalt  }
0x86: {  	_ =	shalt  }
0x87: {  	_ =	shalt  }
.Lfunc_end0:
.L_simem_size_0:
called_computation.2_lowered:
.L_overlay_start_0:
0x88: {  	s2 =	sld [smem:$0x3FD9]  }
0x89: {  	s3 =	sld [smem:$0x3FFE];
	_ =	sdelay $0x1  }
0x8a: {  	s1 =	srdreg.scid  }
0x8b: {  	s0 =	sand.u32 $0x1, s1  }
0x8c: {  	s17 =	sshll.u32 s0, $0xA;
	s2 =	sadd.s32 s3, s2  }
0x8d: {  	s2 =	sadd.s32 s2, s17  }
0x8e: {  	[smem:$0x3FC2] =	sst s2  }
0x8f: {  	_ = 	snop  }
0x90: {  	s2 =	sld [smem:$0x3FD0];
	(tm) =	ssettm $0x1  }
0x91: {  	s18 =	sld [smem:$0x3FFB];
	_ =	sdelay $0x3  }
0x92: {  	_ =	strace s18  }
0x93: {  	s3 =	sld [smem:$0x3FFC];
	_ =	sdelay $0x3  }
0x94: {  	_ =	strace s3  }
0x95: {  	s3 =	sld [smem:$0x3FFD];
	_ =	sdelay $0x3  }
0x96: {  	_ =	strace s3  }
0x97: {  	_ =	strace $0x8FFFFFFF  }
0x98: {  	s19 =	sld [smem:$0x3FDB];
	_ =	sdelay $0x1  }
0x99: {  	s4 =	simm.s32 $_scs_section_size  }
0x9a: {  	s5 =	simm.s32 $_size__tile_overlayer_lowered;
	s6 =	simm.s32 $_tile_overlayer_lowered  }
0x9b: {  	s22 =	simm.s32 $0x1BFF;
	s21 =	sshll.u32 s6, $0x1;
	s3 =	sadd.s32 s4, s19  }
0x9c: {  	s7 =	simm.s32 $0x0;
	s20 =	sshll.u32 s5, $0x1;
	s5 =	sadd.s32 s21, s3  }
0x9d: {  	[timem:s7], [sflag:s22] =	dma.local [hbm:s5], s20  }
0x9e: {  	_ =	swait.ge [sflag:s22], s20  }
0x9f: {  	s4 =	ssub.s32 $0x0, s20;
	[sflag:s22] =	ssyncset.done $0x0  }
0xa0: {  	[sflag:s22] =	ssyncadd.s32 s4;
	_ =	sdelay $0x1  }
0xa1: {  	s23 =	simm.s32 $0x1B8B  }
0xa2: {  	_ =	swait.ge [sflag:s23], $0x1  }
0xa3: {  	[sflag:s23] =	ssyncset.done $0x0  }
0xa4: {  	s25 =	simm.s32 $0x1B8E;
	s24 =	sld [smem:$0x3FFE];
	[sflag:s23] =	ssyncadd.s32 $0xFFFFFFFF  }
0xa5: {  	s26 =	simm.s32 $execute0_lowered;
	[smem:$0x3FD2] =	sst s25  }
0xa6: {  	s5 =	sshll.u32 s26, $0x1;
	_ =	strace $0x8000004C;
	[dreg:$0x1] =	wrdreg $0xFFFFFFFF  }
0xa7: {  	s28 =	simm.s32 $_size_execute0_lowered;
	s3 =	sadd.s32 s3, s5;
	[dreg:$0x0] =	wrdreg $0x0  }
0xa8: {  	s5 =	sshll.u32 s28, $0x1;
	[dreg:$0x2] =	wrdreg s3  }
0xa9: {  	[dreg:$0x3] =	wrdreg s5  }
0xaa: {  	[dreg:$0x4] =	wrdreg $0xC0  }
0xab: {  	_ =	task [dreg:s7], $0x5FFFF  }
0xac: {  	[dreg:$0x1] =	wrdreg $0xFFFFFFFF  }
0xad: {  	[dreg:$0x0] =	wrdreg $0x60  }
0xae: {  	[dreg:$0x2] =	wrdreg s2  }
0xaf: {  	[dreg:$0x3] =	wrdreg s24  }
0xb0: {  	[dreg:$0x4] =	wrdreg $0x0  }
0xb1: {  	[dreg:$0x5] =	wrdreg $0x9  }
0xb2: {  	_ =	task.clear_ibuf [dreg:s7], $0x6FFFF;
	_ =	strace $0x9000004C  }
0xb3: {  	s29 =	simm.s32 $0x9;
	_ =	strace $0x8000004E  }
0xb4: {  	_ =	swait.ge [sflag:s29], $0x1  }
0xb5: {  	[sflag:s29] =	ssyncadd.s32 $0xFFFFFFFF  }
0xb6: {  	_ =	strace $0x9000004E  }
0xb7: {  	_ =	sfence  }
0xb8: {  	s30 =	sld [smem:$0x0];
	_ =	sdelay $0x2  }
0xb9: {  	s31 =	sshll.u32 s1, $0xD;
	s1 =	sshrl.u32 s1, $0x2  }
0xba: {  	s3 =	sand.u32 $0x4000, s31;
	s1 =	sadd.s32 s1, s30  }
0xbb: {  	s0 =	sor.u32 s3, s0;
	s1 =	sshll.u32 s1, $0x11  }
0xbc: {  	s0 =	sor.u32 s1, s0  }
0xbd: {  	s0 =	sadd.s32 $0x8F2B, s0  }
0xbe: {  	[sflag:s0] =	ssyncadd.remote.s32 $0x1  }
0xbf: {  	_ =	sfence.sel $0xFFFF  }
0xc0: {  	[dreg:$0x0] =	wrdreg $0xFFFFFFFF;
	(pc) =	sbr.abs _section_cstart, $3  }
0xc1: {  	[dreg:$0x1] =	wrdreg $0xFFFFFFFF  }
0xc2: {  	_ =	task.clear_ibuf [dreg:s7], $0x2FFFF;
	_ =	strace $0x9FFFFFFF  }
0xc3: {  	(tm) =	ssettm $0x7FFFFFFF  }
tec
execute0_lowered:
.L_overlay_start_1:
0x0: {  	(tag) =	ssettag $0x1  }
0x1: {  	s1 =	rddreg [dreg:$0x0]  }
0x2: {  	s6 =	rddreg [dreg:$0x1]  }
0x3: {  	s2 =	rddreg [dreg:$0x2]  }
0x4: {  	s4 =	srdreg.scid;
	s3 =	simm.s32 $0x0;
	s0 =	stileid.u32  }
0x5: {  	s13 =	simm.s32 $0x2;
	s16 =	simm.s32 $0x15880;
	s17 =	simm.s32 $0x13900  }
0x6: {  	s18 =	simm.s32 $0x18080;
	s19 =	simm.s32 $0x13980;
	s9 =	smul.u32 $0x4F000, s0  }
0x7: {  	s20 =	simm.s32 $0x1A880;
	s21 =	simm.s32 $0x1;
	s14 =	smul.u32 $0xA00, s0  }
0x8: {  	s23 =	simm.s32 $0x0;
	s7 =	sand.u32 $0x1, s4;
	s22 =	smul.u32 $0x2780, s0  }
0x9: {  	[smem:$0x7FF] =	sst s3;
	p0 =	seq.s32 s0, $0xF;
	s5 =	smul.u32 $0xA000, s7  }
0xa: {  	s8 =	smul.u32 $0x27100, s7;
	_ =	strace $0x8000004D;
	s7 =	ssub.s32 $0x2, s7  }
0xb: {  	s31 =	sshrl.u32 s7, $0x1;
	s9 =	sshrl.u32 s9, $0x2;
	s10 =	sadd.s32 s5, s6  }
0xc: {  	s5 =	sadd.s32 $0x15E00, s6;
	s6 =	sadd.s32 s8, s6;
	s7 =	ssub.s32 s7, s31  }
0xd: {  	s11 =	sadd.s32 s9, s2;
	s8 =	sadd.s32 $0x128400, s2;
	s9 =	sshll.u32 @!p0 s0, $0x6  }
0xe: {  	s12 =	sadd.s32 $0x1E00, s10;
	s15 =	sadd.s32 $0x66800, s10;
	s6 =	sadd.s32 $0x18600, s6  }
0xf: {  	s7 =	smax.u32 s7, $0x1;
	s8 =	sshrl.u32 @p0 s8, $0x3;
	s9 =	sor.u32 @!p0 $0x1C02, s9  }
0x10: {  	s10 =	sshrl.u32 @!p0 s11, $0x3;
	s11 =	sadd.s32 s14, s12;
	s12 =	simm.s32 $0x13880  }
0x11: {  	s14 =	sadd.s32 s14, s15;
	s15 =	simm.s32 $0x50;
	s22 =	sadd.s32 @!p0 s22, s6  }
.LBB2_1:
0x12: {  	s24 =	simm.s32 @p0 $0x1FC2  }
0x13: {  	[spmem:s8], [sflag:s24] =	dma.local @p0 [hbm:s5], $0x2080  }
0x14: {  	s24 =	simm.s32 @p0 $0x2  }
0x15: {  	_ =	swait.ge @p0 [sflag:s24], $0x2080  }
0x16: {  	[sflag:s24] =	ssyncset.done @p0 $0x0  }
0x17: {  	[sflag:s24] =	ssyncadd.s32 @p0 $0xFFFFDF80;
	s24 =	simm.s32 @!p0 $0x2  }
0x18: {  	[spmem:s10], [sflag:s9] =	dma.local @!p0 [hbm:s5], $0x2780  }
0x19: {  	_ =	swait.ge @!p0 [sflag:s24], $0x2780  }
0x1a: {  	[sflag:s24] =	ssyncset.done @!p0 $0x0  }
0x1b: {  	[sflag:s24] =	ssyncadd.s32 @!p0 $0xFFFFD880  }
0x1c: {  	s24 =	simm.s32 $0x0;
	[bflag:$0x0] =	sbarrier.arrive $0xFFFF  }
.LBB2_2:
0x1d: {  	s25 =	sshll.u32 s24, $0x9  }
0x1e: {  	s26 =	sadd.s32 s25, s11  }
0x1f: {  	[tilespmem:s12], [sflag:$0x2] =	stream.linear.gather [hbm4b:s26+s3], $0xC80, $0x38;
	[tilespmem:$0x1F880] =	vst v63  }
0x20: {  	_ =	swait.ge [sflag:s13], $0xC80  }
0x21: {  	[sflag:s13] =	ssyncset.done $0x0  }
0x22: {  	s4 =	simm.s32 $0x14880;
	s25 =	sadd.s32 s25, s14;
	[sflag:s13] =	ssyncadd.s32 $0xFFFFF380  }
0x23: {  	[tilespmem:s4], [sflag:$0x2] =	stream.linear.gather [hbm4b:s25+s3], $0xC80, $0x38;
	[tilespmem:$0x1F880] =	vst v63  }
0x24: {  	_ =	swait.ge [sflag:s13], $0xC80  }
0x25: {  	[sflag:s13] =	ssyncset.done $0x0  }
0x26: {  	p1 =	por $0x0, $0x0;
	s25 =	simm.s32 $0x3;
	[sflag:s13] =	ssyncadd.s32 $0xFFFFF380  }
0x27: {  	[tilespmem:s16], [sflag:$0x1] =	stream.indirect.gather [hbm4b:s1+s15], $0x80, s12, s15, $0xb8;
	[tilespmem:$0x1F880] =	vst v63  }
0x28: {  	s28 =	simm.s32 $0x0;
	s25 =	sand.u32 @!p1 $0x3, s25  }
0x29: {  	[tilespmem:s18], [sflag:$0x1] =	stream.indirect.gather [hbm4b:s1+s15], $0x80, s17, s15, $0xb8;
	[tilespmem:$0x1F880] =	vst v63  }
0x2a: {  	s29 =	simm.s32 $0x13A00;
	s28 =	sand.u32 $0x3, s28;
	s25 =	smul.u32 @!p1 $0xA000, s25  }
0x2b: {  	[tilespmem:s20], [sflag:$0x1] =	stream.indirect.gather [hbm4b:s1+s15], $0x80, s19, s15, $0xb8;
	[tilespmem:$0x1F880] =	vst v63  }
0x2c: {  	s30 =	simm.s32 @!p1 $0x50;
	s28 =	smul.u32 $0xA000, s28;
	_ =	swait.ge [sflag:s21], $0x2800  }
0x2d: {  	s26 =	simm.s32 $0x13A80;
	s25 =	sshrl.u32 @!p1 s25, $0x2;
	[sflag:s21] =	ssyncset.done $0x0  }
0x2e: {  	s31 =	sshrl.u32 s28, $0x2;
	s25 =	sadd.s32 @!p1 $0x15880, s25;
	[sflag:s21] =	ssyncadd.s32 $0xFFFFD800  }
0x2f: {  	[tilespmem:s25], [sflag:$0x1] =	stream.indirect.gather @!p1 [hbm4b:s1+s30], $0x80, s29, s30, $0xb8;
	[tilespmem:$0x1F880] =	vst v63  }
0x30: {  	s28 =	simm.s32 $0x4;
	s25 =	sadd.s32 $0x15880, s31;
	s29 =	simm.s32 $0x5  }
0x31: {  	[spmem:s2] =	stream.indirect.scatter.add.f32 [tilespmem:s25], [sflag:$0x2], $0x80, s4, s15, $0xb8;
	[tilespmem:$0x1F880] =	vst v63  }
0x32: {  	s30 =	simm.s32 $0x1;
	s25 =	simm.s32 $0x14900;
	_ =	swait.ge [sflag:s13], $0x2800  }
.LBB2_3:
0x33: {  	p2 =	sgt.u32 s30, $0x15;
	[sflag:s13] =	ssyncset.done $0x0  }
0x34: {  	s31 =	smov.u32 s29;
	s29 =	sadd.s32 $0x1, s29;
	s0 =	smov.u32 s25  }
0x35: {  	p1 =	sne.s32 s29, $0x1C;
	s28 =	sand.u32 @!p2 $0x3, s28;
	[sflag:s13] =	ssyncadd.s32 $0xFFFFD800  }
0x36: {  	s4 =	smul.u32 @!p2 $0xA000, s28;
	s28 =	smov.u32 s31  }
0x37: {  	s30 =	sand.u32 $0x3, s30;
	_ =	swait.ge [sflag:s21], $0x2800  }
0x38: {  	s30 =	smul.u32 $0xA000, s30;
	[sflag:s21] =	ssyncset.done $0x0;
	s4 =	sshrl.u32 @!p2 s4, $0x2  }
0x39: {  	s31 =	simm.s32 @!p2 $0x50;
	[sflag:s21] =	ssyncadd.s32 $0xFFFFD800;
	s4 =	sadd.s32 @!p2 $0x15880, s4  }
0x3a: {  	[tilespmem:s4], [sflag:$0x1] =	stream.indirect.gather @!p2 [hbm4b:s1+s31], $0x80, s26, s31, $0xb8;
	[tilespmem:$0x1F880] =	vst v63  }
.Ltmp0:
0x3b: {  	_ = 	snop;
	(pc) =	sbr.rel @p1 .LBB2_3-.Ltmp0, $4  }
0x3c: {  	s4 =	sshrl.u32 s30, $0x2  }
0x3d: {  	s25 =	sadd.s32 $0x80, s25;
	s4 =	sadd.s32 $0x15880, s4  }
0x3e: {  	[spmem:s2] =	stream.indirect.scatter.add.f32 [tilespmem:s4], [sflag:$0x2], $0x80, s0, s15, $0xb8;
	[tilespmem:$0x1F880] =	vst v63  }
0x3f: {  	s30 =	sadd.s32 $0xFFFFFFFD, s28;
	s26 =	sadd.s32 $0x80, s26;
	_ =	swait.ge [sflag:s13], $0x2800  }
0x40: {  	p1 =	sgt.u32 s30, $0x15  }
0x41: {  	[sflag:s13] =	ssyncset.done $0x0;
	s0 =	sand.u32 @!p1 $0x3, s28  }
0x42: {  	[sflag:s13] =	ssyncadd.s32 $0xFFFFD800;
	s0 =	smul.u32 @!p1 $0xA000, s0  }
0x43: {  	s4 =	sand.u32 $0x3, s30;
	s24 =	sadd.s32 $0x1, s24;
	_ =	swait.ge [sflag:s21], $0x2800  }
0x44: {  	s4 =	smul.u32 $0xA000, s4;
	[sflag:s21] =	ssyncset.done $0x0;
	s0 =	sshrl.u32 @!p1 s0, $0x2  }
0x45: {  	s28 =	simm.s32 @!p1 $0x50;
	[sflag:s21] =	ssyncadd.s32 $0xFFFFD800;
	s0 =	sadd.s32 @!p1 $0x15880, s0  }
0x46: {  	[tilespmem:s0], [sflag:$0x1] =	stream.indirect.gather @!p1 [hbm4b:s1+s28], $0x80, s26, s28, $0xb8;
	[tilespmem:$0x1F880] =	vst v63  }
0x47: {  	s31 =	sshrl.u32 s4, $0x2;
	p1 =	sne.s32 s24, $0x5  }
.Ltmp1:
0x48: {  	s0 =	sadd.s32 $0x15880, s31;
	(pc) =	sbr.rel @p1 .LBB2_2-.Ltmp1, $4  }
0x49: {  	[spmem:s2] =	stream.indirect.scatter.add.f32 [tilespmem:s0], [sflag:$0x2], $0x80, s25, s15, $0xb8;
	[tilespmem:$0x1F880] =	vst v63  }
0x4a: {  	_ =	swait.ge [sflag:s13], $0x2800  }
0x4b: {  	[sflag:s13] =	ssyncset.done $0x0  }
0x4c: {  	[sflag:s13] =	ssyncadd.s32 $0xFFFFD800  }
0x4d: {  	[bflag:$0x0] =	sbarrier.arrive $0xFFFF;
	s0 =	sadd.s32 @p0 $0x25080, s6;
	s4 =	simm.s32 @p0 $0x1FC2  }
0x4e: {  	[hbm:s0], [sflag:s4] =	dma.local @p0 [spmem:s8], $0x2080  }
0x4f: {  	s0 =	simm.s32 @p0 $0x2  }
0x50: {  	s23 =	sadd.s32 $0x1, s23;
	_ =	swait.ge @p0 [sflag:s0], $0x2080  }
0x51: {  	p1 =	sne.s32 s23, s7;
	[sflag:s0] =	ssyncset.done @p0 $0x0  }
.Ltmp2:
0x52: {  	[sflag:s0] =	ssyncadd.s32 @p0 $0xFFFFDF80;
	s0 =	simm.s32 @!p0 $0x2;
	(pc) =	sbr.rel @p1 .LBB2_1-.Ltmp2, $4  }
0x53: {  	[hbm:s22], [sflag:s9] =	dma.local @!p0 [spmem:s10], $0x2780  }
0x54: {  	_ =	swait.ge @!p0 [sflag:s0], $0x2780  }
0x55: {  	[sflag:s0] =	ssyncset.done @!p0 $0x0  }
0x56: {  	[sflag:s0] =	ssyncadd.s32 @!p0 $0xFFFFD880  }
0x57: {  	_ =	sfence.sel $0x180000  }
0x58: {  	[bflag:$0x0] =	sbarrier.arrive $0xFFFF  }
0x59: {  	_ =	strace $0x9000004D  }
0x5a: {  	s0 =	stileid.u32;
	[bflag:$0x2] =	sbarrier.arrive $0xFFFF  }
0x5b: {  	p0 =	sne.s32 s0, $0x0;
	s0 =	rddreg [dreg:$0x3]  }
0x5c: {  	s0 =	sadd.s32 @!p0 $0x100000, s0  }
0x5d: {  	[sflag:s0] =	ssyncadd.tile.s32 @!p0 $0x1;
	_ =	shalt  }
.Lfunc_end2:
_tile_overlayer_lowered:
.L_overlay_start_2:
0x5e: {  	(tag) =	ssettag $0x2  }
0x5f: {  	s0 =	rddreg [dreg:$0x0];
	s2 =	stileid.u32  }
0x60: {  	s1 =	rddreg [dreg:$0x1];
	p0 =	sne.s32 s2, $0x0  }
0x61: {  	s3 =	rddreg [dreg:$0x2];
	[bflag:$0x3] =	sbarrier.arrive $0xFFFF;
	s2 =	simm.s32 @!p0 $0x1C02  }
0x62: {  	[timem:s3], [sflag:s2] =	dma.local @!p0 [hbm:s0], s1  }
0x63: {  	s0 =	simm.s32 @!p0 $0x2  }
0x64: {  	_ =	swait.ge @!p0 [sflag:s0], s1  }
0x65: {  	s1 =	ssub.s32 @!p0 $0x0, s1;
	[sflag:s0] =	ssyncset.done @!p0 $0x0  }
0x66: {  	[sflag:s0] =	ssyncadd.s32 @!p0 s1  }
0x67: {  	[bflag:$0x3] =	sbarrier.arrive $0xFFFF  }
0x68: {  	_ =	shalt  }

// kernel: kernel.8.cloned.1.call-start
scs
__scs_entry_jumppad:
0x0: {  	(pc) =	sbr.rel $0x88, $3  }
0x1: {  	(tag) =	ssettag $0x0;
	lr =	simm.s32 $0x1  }
0x2: {  	[smem:$0x3F9B] =	sst lr;
	_ =	strace $0xD0000000  }
0x3: {  	_ = 	snop  }
0x4: {  	_ = 	snop  }
0x5: {  	_ = 	snop  }
0x6: {  	_ = 	snop  }
0x7: {  	_ = 	snop  }
__scs_overlays_trampoline_lowered:
0x8: {  	[smem:$0x3FAA] =	sst s0  }
0x9: {  	[smem:$0x3FAB] =	sst s1  }
0xa: {  	[smem:$0x3FAC] =	sst s2  }
0xb: {  	[smem:$0x3FAD] =	sst s3  }
0xc: {  	[smem:$0x3FAE] =	sst s4  }
0xd: {  	[smem:$0x3FAF] =	sst s5  }
0xe: {  	[smem:$0x3FB0] =	sst s6  }
0xf: {  	[smem:$0x3FB1] =	sst s7  }
0x10: {  	[smem:$0x3FB2] =	sst s8  }
0x11: {  	[smem:$0x3FB3] =	sst s9;
	s0 =	simm.s32 @!p0 $0x0  }
0x12: {  	s1 =	sld [smem:$0x3F99];
	s0 =	simm.s32 @p0 $0x1  }
0x13: {  	[smem:$0x3FB4] =	sst s0;
	s0 =	simm.s32 @!p1 $0x0  }
0x14: {  	s2 =	sld [smem:$0x3F98];
	s0 =	simm.s32 @p1 $0x1  }
0x15: {  	[smem:$0x3FB5] =	sst s0;
	s0 =	simm.s32 @!p2 $0x0  }
0x16: {  	s3 =	sld [smem:$0x3FDB];
	s0 =	simm.s32 @p2 $0x1  }
0x17: {  	s4 =	simm.s32 $0x1BF5;
	[smem:$0x3FB7] =	sst s0  }
0x18: {  	s0 =	sld [smem:$0x3F9A];
	_ =	swait.ge [sflag:s4], $0x0  }
0x19: {  	s7 =	sld [smem:$0x3F9B]  }
0x1a: {  	s8 =	sadd.s32 $0xFFFFE003, lr  }
0x1b: {  	s9 =	sadd.s32 $0xFFFFFEF7, lr;
	s5 =	simm.s32 $0xFFFFFFFF;
	p2 =	slt.u32 s8, $0xFFFFF086  }
0x1c: {  	p1 =	slt.u32 s9, $0xF7A;
	s5 =	simm.s32 @!p2 $0x0  }
0x1d: {  	s5 =	simm.s32 @p1 $0x1;
	p0 =	seq.s32 s7, s2  }
0x1e: {  	s7 =	smul.u32 @!p0 $0xF7A, s2;
	p2 =	seq.s32 @!p0 s5, $0x0  }
0x1f: {  	s9 =	smul.u32 $0xF7A, s1;
	s8 =	simm.s32 @!p0 $0x1BF5;
	p2 =	por !p2, p0  }
0x20: {  	[sflag:s8] =	ssyncset.s32 @!p0 $0xFFFFF086;
	s6 =	sadd.s32 @!p0 s3, s7;
	s7 =	simm.s32 @!p0 $0x108  }
0x21: {  	s3 =	sadd.s32 s3, s9;
	s6 =	sadd.s32 @!p0 $0x88, s6;
	s7 =	simm.s32 @p2 $0x1082  }
0x22: {  	[simem:s7], [sflag:s8] =	dma.local @!p0 [hbm:s6], $0xF7A  }
0x23: {  	s9 =	sor.u32 $0xD0000000, s2;
	s6 =	simm.s32 $0x108;
	_ =	swait.ge @!p0 [sflag:s8], $0x0  }
0x24: {  	s3 =	sadd.s32 $0x88, s3;
	s6 =	simm.s32 @!p1 $0x1082;
	[sflag:s4] =	ssyncset.s32 $0xFFFFF086  }
0x25: {  	[simem:s6], [sflag:s4] =	dma.local [hbm:s3], $0xF7A  }
0x26: {  	[smem:$0x3F9B] =	sst s1;
	(tag) =	ssettag s2;
	_ =	strace s9  }
0x27: {  	s1 =	sld [smem:$0x3FAB]  }
0x28: {  	s2 =	sld [smem:$0x3FAC]  }
0x29: {  	s4 =	sld [smem:$0x3FAE]  }
0x2a: {  	p0 =	seq.s32 s5, $0x0;
	s5 =	sld [smem:$0x3FAF]  }
0x2b: {  	s6 =	sld [smem:$0x3FB0]  }
0x2c: {  	s7 =	sld [smem:$0x3FB1]  }
0x2d: {  	s3 =	simm.s32 $0x108;
	s8 =	sld [smem:$0x3FB2]  }
0x2e: {  	s3 =	simm.s32 @!p0 $0x1082;
	s9 =	sld [smem:$0x3FB3]  }
0x2f: {  	lr =	sadd.s32 s0, s3;
	s0 =	sld [smem:$0x3FAA]  }
0x30: {  	s3 =	sld [smem:$0x3FAD]  }
0x31: {  	[smem:$0x3FB6] =	sst s10  }
0x32: {  	s10 =	sld [smem:$0x3FB4];
	_ =	sdelay $0x3  }
0x33: {  	p0 =	seq.s32 s10, $0x1;
	s10 =	sld [smem:$0x3FB6];
	_ =	sdelay $0x3  }
0x34: {  	[smem:$0x3FB6] =	sst s10  }
0x35: {  	s10 =	sld [smem:$0x3FB5];
	_ =	sdelay $0x3  }
0x36: {  	p1 =	seq.s32 s10, $0x1;
	s10 =	sld [smem:$0x3FB6];
	_ =	sdelay $0x3  }
0x37: {  	[smem:$0x3FB6] =	sst s10  }
0x38: {  	s10 =	sld [smem:$0x3FB7]  }
0x39: {  	_ = 	snop;
	(pc) =	sbr.ind lr, $3  }
0x3a: {  	_ = 	snop  }
0x3b: {  	_ = 	snop  }
0x3c: {  	p2 =	seq.s32 s10, $0x1;
	s10 =	sld [smem:$0x3FB6]  }
0x3d: {  	_ =	shalt  }
0x3e: {  	_ =	shalt  }
0x3f: {  	_ =	shalt  }
0x40: {  	_ =	shalt  }
0x41: {  	_ =	shalt  }
0x42: {  	_ =	shalt  }
0x43: {  	_ =	shalt  }
0x44: {  	_ =	shalt  }
0x45: {  	_ =	shalt  }
0x46: {  	_ =	shalt  }
0x47: {  	_ =	shalt  }
0x48: {  	_ =	shalt  }
0x49: {  	_ =	shalt  }
0x4a: {  	_ =	shalt  }
0x4b: {  	_ =	shalt  }
0x4c: {  	_ =	shalt  }
0x4d: {  	_ =	shalt  }
0x4e: {  	_ =	shalt  }
0x4f: {  	_ =	shalt  }
0x50: {  	_ =	shalt  }
0x51: {  	_ =	shalt  }
0x52: {  	_ =	shalt  }
0x53: {  	_ =	shalt  }
0x54: {  	_ =	shalt  }
0x55: {  	_ =	shalt  }
0x56: {  	_ =	shalt  }
0x57: {  	_ =	shalt  }
0x58: {  	_ =	shalt  }
0x59: {  	_ =	shalt  }
0x5a: {  	_ =	shalt  }
0x5b: {  	_ =	shalt  }
0x5c: {  	_ =	shalt  }
0x5d: {  	_ =	shalt  }
0x5e: {  	_ =	shalt  }
0x5f: {  	_ =	shalt  }
0x60: {  	_ =	shalt  }
0x61: {  	_ =	shalt  }
0x62: {  	_ =	shalt  }
0x63: {  	_ =	shalt  }
0x64: {  	_ =	shalt  }
0x65: {  	_ =	shalt  }
0x66: {  	_ =	shalt  }
0x67: {  	_ =	shalt  }
0x68: {  	_ =	shalt  }
0x69: {  	_ =	shalt  }
0x6a: {  	_ =	shalt  }
0x6b: {  	_ =	shalt  }
0x6c: {  	_ =	shalt  }
0x6d: {  	_ =	shalt  }
0x6e: {  	_ =	shalt  }
0x6f: {  	_ =	shalt  }
0x70: {  	_ =	shalt  }
0x71: {  	_ =	shalt  }
0x72: {  	_ =	shalt  }
0x73: {  	_ =	shalt  }
0x74: {  	_ =	shalt  }
0x75: {  	_ =	shalt  }
0x76: {  	_ =	shalt  }
0x77: {  	_ =	shalt  }
0x78: {  	_ =	shalt  }
0x79: {  	_ =	shalt  }
0x7a: {  	_ =	shalt  }
0x7b: {  	_ =	shalt  }
0x7c: {  	_ =	shalt  }
0x7d: {  	_ =	shalt  }
0x7e: {  	_ =	shalt  }
0x7f: {  	_ =	shalt  }
0x80: {  	_ =	shalt  }
0x81: {  	_ =	shalt  }
0x82: {  	_ =	shalt  }
0x83: {  	_ =	shalt  }
0x84: {  	_ =	shalt  }
0x85: {  	_ =	shalt  }
0x86: {  	_ =	shalt  }
0x87: {  	_ =	shalt  }
.Lfunc_end0:
.L_simem_size_0:
called_computation_lowered:
.L_overlay_start_0:
0x88: {  	s2 =	sld [smem:$0x3FD9]  }
0x89: {  	s3 =	sld [smem:$0x3FFE];
	_ =	sdelay $0x1  }
0x8a: {  	s1 =	srdreg.scid  }
0x8b: {  	s0 =	sand.u32 $0x1, s1  }
0x8c: {  	s17 =	sshll.u32 s0, $0xA;
	s2 =	sadd.s32 s3, s2  }
0x8d: {  	s2 =	sadd.s32 s2, s17  }
0x8e: {  	[smem:$0x3FC2] =	sst s2  }
0x8f: {  	_ = 	snop  }
0x90: {  	s2 =	sld [smem:$0x3FD0];
	(tm) =	ssettm $0x1  }
0x91: {  	s18 =	sld [smem:$0x3FFB];
	_ =	sdelay $0x3  }
0x92: {  	_ =	strace s18  }
0x93: {  	s3 =	sld [smem:$0x3FFC];
	_ =	sdelay $0x3  }
0x94: {  	_ =	strace s3  }
0x95: {  	s3 =	sld [smem:$0x3FFD];
	_ =	sdelay $0x3  }
0x96: {  	_ =	strace s3  }
0x97: {  	_ =	strace $0x8FFFFFFF  }
0x98: {  	s19 =	sld [smem:$0x3FDB];
	_ =	sdelay $0x1  }
0x99: {  	s4 =	simm.s32 $_scs_section_size  }
0x9a: {  	s5 =	simm.s32 $_size__tile_overlayer_lowered;
	s6 =	simm.s32 $_tile_overlayer_lowered  }
0x9b: {  	s22 =	simm.s32 $0x1BFF;
	s21 =	sshll.u32 s6, $0x1;
	s3 =	sadd.s32 s4, s19  }
0x9c: {  	s7 =	simm.s32 $0x0;
	s20 =	sshll.u32 s5, $0x1;
	s5 =	sadd.s32 s21, s3  }
0x9d: {  	[timem:s7], [sflag:s22] =	dma.local [hbm:s5], s20  }
0x9e: {  	_ =	swait.ge [sflag:s22], s20  }
0x9f: {  	s4 =	ssub.s32 $0x0, s20;
	[sflag:s22] =	ssyncset.done $0x0  }
0xa0: {  	[sflag:s22] =	ssyncadd.s32 s4;
	_ =	sdelay $0x1  }
0xa1: {  	s23 =	simm.s32 $0x1B8B  }
0xa2: {  	_ =	swait.ge [sflag:s23], $0x1  }
0xa3: {  	[sflag:s23] =	ssyncset.done $0x0  }
0xa4: {  	s25 =	simm.s32 $0x1B8E;
	s24 =	sld [smem:$0x3FFE];
	[sflag:s23] =	ssyncadd.s32 $0xFFFFFFFF  }
0xa5: {  	s26 =	simm.s32 $execute0_lowered;
	[smem:$0x3FD2] =	sst s25  }
0xa6: {  	s5 =	sshll.u32 s26, $0x1;
	_ =	strace $0x80000046;
	[dreg:$0x1] =	wrdreg $0xFFFFFFFF  }
0xa7: {  	s28 =	simm.s32 $_size_execute0_lowered;
	s3 =	sadd.s32 s3, s5;
	[dreg:$0x0] =	wrdreg $0x0  }
0xa8: {  	s5 =	sshll.u32 s28, $0x1;
	[dreg:$0x2] =	wrdreg s3  }
0xa9: {  	[dreg:$0x3] =	wrdreg s5  }
0xaa: {  	[dreg:$0x4] =	wrdreg $0xC0  }
0xab: {  	_ =	task [dreg:s7], $0x5FFFF  }
0xac: {  	[dreg:$0x1] =	wrdreg $0xFFFFFFFF  }
0xad: {  	[dreg:$0x0] =	wrdreg $0x60  }
0xae: {  	[dreg:$0x2] =	wrdreg s24  }
0xaf: {  	[dreg:$0x3] =	wrdreg s2  }
0xb0: {  	[dreg:$0x4] =	wrdreg $0x0  }
0xb1: {  	[dreg:$0x5] =	wrdreg $0x9  }
0xb2: {  	_ =	task.clear_ibuf [dreg:s7], $0x6FFFF;
	_ =	strace $0x90000046  }
0xb3: {  	s29 =	simm.s32 $0x9;
	_ =	strace $0x80000048  }
0xb4: {  	_ =	swait.ge [sflag:s29], $0x1  }
0xb5: {  	[sflag:s29] =	ssyncadd.s32 $0xFFFFFFFF  }
0xb6: {  	_ =	strace $0x90000048  }
0xb7: {  	_ =	sfence  }
0xb8: {  	s30 =	sld [smem:$0x0];
	_ =	sdelay $0x2  }
0xb9: {  	s31 =	sshll.u32 s1, $0xD;
	s1 =	sshrl.u32 s1, $0x2  }
0xba: {  	s3 =	sand.u32 $0x4000, s31;
	s1 =	sadd.s32 s1, s30  }
0xbb: {  	s0 =	sor.u32 s3, s0;
	s1 =	sshll.u32 s1, $0x11  }
0xbc: {  	s0 =	sor.u32 s1, s0  }
0xbd: {  	s0 =	sadd.s32 $0x8F2B, s0  }
0xbe: {  	[sflag:s0] =	ssyncadd.remote.s32 $0x1  }
0xbf: {  	_ =	sfence.sel $0xFFFF  }
0xc0: {  	[dreg:$0x0] =	wrdreg $0xFFFFFFFF;
	(pc) =	sbr.abs _section_cstart, $3  }
0xc1: {  	[dreg:$0x1] =	wrdreg $0xFFFFFFFF  }
0xc2: {  	_ =	task.clear_ibuf [dreg:s7], $0x2FFFF;
	_ =	strace $0x9FFFFFFF  }
0xc3: {  	(tm) =	ssettm $0x7FFFFFFF  }
tec
execute0_lowered:
.L_overlay_start_1:
0x0: {  	(tag) =	ssettag $0x1  }
0x1: {  	s6 =	rddreg [dreg:$0x0]  }
0x2: {  	s1 =	rddreg [dreg:$0x1]  }
0x3: {  	s2 =	rddreg [dreg:$0x2]  }
0x4: {  	s4 =	srdreg.scid;
	s0 =	rddreg [dreg:$0x3]  }
0x5: {  	s3 =	simm.s32 $0x0;
	s13 =	simm.s32 $0x1;
	s5 =	sand.u32 $0x1, s4  }
0x6: {  	s14 =	simm.s32 $0x50;
	[smem:$0x7FF] =	sst s3;
	s7 =	smul.u32 $0xA000, s5  }
0x7: {  	s4 =	stileid.u32;
	s8 =	smul.u32 $0x27100, s5;
	_ =	strace $0x80000047  }
0x8: {  	s9 =	ssub.s32 $0x2, s5;
	s10 =	smul.u32 $0x4F000, s4;
	s5 =	sadd.s32 $0x15E00, s6  }
0x9: {  	p0 =	seq.s32 s4, $0xF;
	s17 =	smul.u32 $0x2780, s4;
	s11 =	sshrl.u32 s9, $0x1  }
0xa: {  	s12 =	sshll.u32 @!p0 s4, $0x6;
	s7 =	sadd.s32 s7, s6;
	s8 =	sadd.s32 s8, s6  }
0xb: {  	s9 =	ssub.s32 s9, s11;
	s31 =	sshrl.u32 s10, $0x2;
	s10 =	sadd.s32 $0x128400, s2  }
0xc: {  	s11 =	sadd.s32 s31, s2;
	s6 =	sadd.s32 $0x1E00, s7;
	s7 =	smul.u32 $0xA00, s4  }
0xd: {  	s16 =	sadd.s32 $0x18600, s8;
	s8 =	smax.u32 s9, $0x1;
	s9 =	sshrl.u32 @p0 s10, $0x3  }
0xe: {  	s10 =	sor.u32 @!p0 $0x1C01, s12;
	s12 =	simm.s32 $0x14880;
	s11 =	sshrl.u32 @!p0 s11, $0x3  }
0xf: {  	s15 =	sadd.s32 @p0 $0x25080, s16;
	s16 =	sadd.s32 @!p0 s17, s16;
	s17 =	simm.s32 $0x0  }
.LBB2_1:
0x10: {  	s18 =	simm.s32 @p0 $0x1FC1  }
0x11: {  	[spmem:s9], [sflag:s18] =	dma.local @p0 [hbm:s5], $0x2080  }
0x12: {  	s18 =	simm.s32 @p0 $0x1  }
0x13: {  	s29 =	smul.u32 $0x29, s3;
	_ =	swait.ge @p0 [sflag:s18], $0x2080  }
0x14: {  	[sflag:s18] =	ssyncset.done @p0 $0x0  }
0x15: {  	[sflag:s18] =	ssyncadd.s32 @p0 $0xFFFFDF80;
	s18 =	sshrl.u32 s29, $0xA  }
0x16: {  	[spmem:s11], [sflag:s10] =	dma.local @!p0 [hbm:s5], $0x2780  }
0x17: {  	s19 =	simm.s32 @!p0 $0x1;
	s18 =	sand.u32 $0x3F, s18  }
0x18: {  	_ =	swait.ge @!p0 [sflag:s19], $0x2780;
	s18 =	smul.u32 $0x19, s18  }
0x19: {  	[sflag:s19] =	ssyncset.done @!p0 $0x0  }
0x1a: {  	[sflag:s19] =	ssyncadd.s32 @!p0 $0xFFFFD880;
	s18 =	ssub.s32 $0x0, s18  }
0x1b: {  	[tilespmem:s12], [sflag:$0x1] =	stream.linear.gather [hbm4b:s1+s3], $0x2800, $0x38;
	[tilespmem:$0x17080] =	vst v63  }
0x1c: {  	s30 =	sand.u32 $0xFF, s18;
	s18 =	simm.s32 $0x1  }
0x1d: {  	_ =	swait.ge [sflag:s13], $0x2800;
	p2 =	sne.s32 s30, $0x0;
	s21 =	smul.u32 $0x29, s18  }
0x1e: {  	s19 =	sshll.u32 s30, $0x7;
	[sflag:s13] =	ssyncset.done $0x0;
	s20 =	smul.u32 @!p2 $0x29, s3  }
0x1f: {  	s22 =	sadd.s32 @!p2 s7, s6;
	s23 =	simm.s32 @!p2 $0x0;
	s24 =	simm.s32 @!p2 $0x13880  }
0x20: {  	[sflag:s13] =	ssyncadd.s32 $0xFFFFD800;
	s21 =	sshrl.u32 s21, $0xA;
	s20 =	sshrl.u32 @!p2 s20, $0x1  }
0x21: {  	[bflag:$0x0] =	sbarrier.arrive $0xFFFF;
	s21 =	sand.u32 $0x3F, s21;
	s20 =	sand.u32 @!p2 $0x7E00, s20  }
0x22: {  	s21 =	smul.u32 $0x19, s21;
	s20 =	sadd.s32 @!p2 s20, s22;
	s22 =	simm.s32 @!p2 $0x1  }
0x23: {  	[tilespmem:s24], [sflag:$0x1] =	stream.linear.gather @!p2 [hbm4b:s20+s23], $0xC80, $0x38;
	[tilespmem:$0x17080] =	vst v63  }
0x24: {  	s20 =	simm.s32 $0x2;
	s21 =	ssub.s32 $0x1, s21;
	_ =	swait.ge @!p2 [sflag:s22], $0xC80  }
0x25: {  	s31 =	sand.u32 $0xFF, s21;
	s21 =	sadd.s32 $0x13880, s19;
	[sflag:s22] =	ssyncset.done @!p2 $0x0  }
0x26: {  	p1 =	sne.s32 s31, $0x0;
	s19 =	sshll.u32 s31, $0x7;
	[sflag:s22] =	ssyncadd.s32 @!p2 $0xFFFFF380  }
.LBB2_2:
0x27: {  	s22 =	smul.u32 @!p1 $0x29, s18;
	s18 =	smov.u32 s20;
	s20 =	sadd.s32 $0x1, s20  }
0x28: {  	[spmem:s2] =	stream.indirect.scatter.add.f32 [tilespmem:s12], [sflag:$0x1], $0x80, s21, s14, $0xb8;
	[tilespmem:$0x17080] =	vst v63  }
0x29: {  	s21 =	sadd.s32 @!p1 s7, s6  }
0x2a: {  	s23 =	smul.u32 $0x29, s18;
	s22 =	sshrl.u32 @!p1 s22, $0x1;
	_ =	swait.ge [sflag:s13], $0x2800  }
0x2b: {  	p2 =	sne.s32 s20, $0x7D;
	s22 =	sand.u32 @!p1 $0x7E00, s22;
	[sflag:s13] =	ssyncset.done $0x0  }
0x2c: {  	s21 =	sadd.s32 @!p1 s22, s21;
	[sflag:s13] =	ssyncadd.s32 $0xFFFFD800;
	s22 =	sshrl.u32 s23, $0xA  }
0x2d: {  	s23 =	simm.s32 @!p1 $0x1;
	s22 =	sand.u32 $0x3F, s22  }
0x2e: {  	s24 =	simm.s32 @!p1 $0x0;
	s25 =	simm.s32 @!p1 $0x13880;
	s22 =	smul.u32 $0x19, s22  }
.Ltmp0:
0x2f: {  	(pc) =	sbr.rel @p2 .LBB2_2-.Ltmp0, $4  }
0x30: {  	[tilespmem:s25], [sflag:$0x1] =	stream.linear.gather @!p1 [hbm4b:s21+s24], $0xC80, $0x38;
	[tilespmem:$0x17080] =	vst v63  }
0x31: {  	s21 =	ssub.s32 s18, s22;
	_ =	swait.ge @!p1 [sflag:s23], $0xC80  }
0x32: {  	s22 =	sand.u32 $0xFF, s21;
	s21 =	sadd.s32 $0x13880, s19;
	[sflag:s23] =	ssyncset.done @!p1 $0x0  }
0x33: {  	s19 =	sshll.u32 s22, $0x7;
	[sflag:s23] =	ssyncadd.s32 @!p1 $0xFFFFF380;
	p1 =	sne.s32 s22, $0x0  }
0x34: {  	s18 =	smul.u32 @!p1 $0x29, s18  }
0x35: {  	[spmem:s2] =	stream.indirect.scatter.add.f32 [tilespmem:s12], [sflag:$0x1], $0x80, s21, s14, $0xb8;
	[tilespmem:$0x17080] =	vst v63  }
0x36: {  	s20 =	sadd.s32 @!p1 s7, s6  }
0x37: {  	s21 =	simm.s32 @!p1 $0x0;
	_ =	swait.ge [sflag:s13], $0x2800;
	s18 =	sshrl.u32 @!p1 s18, $0x1  }
0x38: {  	s22 =	simm.s32 @!p1 $0x13880;
	[sflag:s13] =	ssyncset.done $0x0;
	s18 =	sand.u32 @!p1 $0x7E00, s18  }
0x39: {  	[sflag:s13] =	ssyncadd.s32 $0xFFFFD800;
	s18 =	sadd.s32 @!p1 s18, s20;
	s20 =	simm.s32 @!p1 $0x1  }
0x3a: {  	[tilespmem:s22], [sflag:$0x1] =	stream.linear.gather @!p1 [hbm4b:s18+s21], $0xC80, $0x38;
	[tilespmem:$0x17080] =	vst v63  }
0x3b: {  	_ =	swait.ge @!p1 [sflag:s20], $0xC80  }
0x3c: {  	[sflag:s20] =	ssyncset.done @!p1 $0x0  }
0x3d: {  	s31 =	sadd.s32 $0x13880, s19;
	[sflag:s20] =	ssyncadd.s32 @!p1 $0xFFFFF380  }
0x3e: {  	[spmem:s2] =	stream.indirect.scatter.add.f32 [tilespmem:s12], [sflag:$0x1], $0x80, s31, s14, $0xb8;
	[tilespmem:$0x17080] =	vst v63  }
0x3f: {  	_ =	swait.ge [sflag:s13], $0x2800  }
0x40: {  	[sflag:s13] =	ssyncset.done $0x0  }
0x41: {  	[sflag:s13] =	ssyncadd.s32 $0xFFFFD800  }
0x42: {  	s18 =	simm.s32 @p0 $0x1FC1;
	[bflag:$0x0] =	sbarrier.arrive $0xFFFF  }
0x43: {  	[hbm:s15], [sflag:s18] =	dma.local @p0 [spmem:s9], $0x2080  }
0x44: {  	s18 =	simm.s32 @p0 $0x1  }
0x45: {  	s17 =	sadd.s32 $0x1, s17;
	_ =	swait.ge @p0 [sflag:s18], $0x2080  }
0x46: {  	p1 =	sne.s32 s17, s8;
	[sflag:s18] =	ssyncset.done @p0 $0x0  }
.Ltmp1:
0x47: {  	[sflag:s18] =	ssyncadd.s32 @p0 $0xFFFFDF80;
	s18 =	simm.s32 @!p0 $0x1;
	(pc) =	sbr.rel @p1 .LBB2_1-.Ltmp1, $4  }
0x48: {  	[hbm:s16], [sflag:s10] =	dma.local @!p0 [spmem:s11], $0x2780  }
0x49: {  	_ =	swait.ge @!p0 [sflag:s18], $0x2780  }
0x4a: {  	[sflag:s18] =	ssyncset.done @!p0 $0x0  }
0x4b: {  	[sflag:s18] =	ssyncadd.s32 @!p0 $0xFFFFD880  }
0x4c: {  	_ =	sfence.sel $0x180000  }
0x4d: {  	[bflag:$0x0] =	sbarrier.arrive $0xFFFF  }
0x4e: {  	p0 =	sne.s32 s4, $0x0;
	_ =	strace $0x90000047  }
0x4f: {  	s0 =	sadd.s32 @!p0 $0x100000, s0;
	[bflag:$0x2] =	sbarrier.arrive $0xFFFF  }
0x50: {  	[sflag:s0] =	ssyncadd.tile.s32 @!p0 $0x1;
	_ =	shalt  }
.Lfunc_end2:
_tile_overlayer_lowered:
.L_overlay_start_2:
0x51: {  	(tag) =	ssettag $0x2  }
0x52: {  	s0 =	rddreg [dreg:$0x0];
	s2 =	stileid.u32  }
0x53: {  	s1 =	rddreg [dreg:$0x1];
	p0 =	sne.s32 s2, $0x0  }
0x54: {  	s3 =	rddreg [dreg:$0x2];
	[bflag:$0x3] =	sbarrier.arrive $0xFFFF;
	s2 =	simm.s32 @!p0 $0x1C01  }
0x55: {  	[timem:s3], [sflag:s2] =	dma.local @!p0 [hbm:s0], s1  }
0x56: {  	s0 =	simm.s32 @!p0 $0x1  }
0x57: {  	_ =	swait.ge @!p0 [sflag:s0], s1  }
0x58: {  	s1 =	ssub.s32 @!p0 $0x0, s1;
	[sflag:s0] =	ssyncset.done @!p0 $0x0  }
0x59: {  	[sflag:s0] =	ssyncadd.s32 @!p0 s1  }
0x5a: {  	[bflag:$0x3] =	sbarrier.arrive $0xFFFF  }
0x5b: {  	_ =	shalt  }

</sc_bundles>
